<compile_context>
chip_gen: v7x
topology: tpu7x:2x2x1
jax: 0.10.2.dev20260603
libtpu: 0.0.44.dev20260713+nightly
codegen_flags: <defaults>
</compile_context>

<pallas_src>
import functools

import jax
import jax.numpy as jnp
from jax.experimental import pallas as pl
from jax.experimental.pallas import tpu as pltpu
from jax.experimental.pallas import tpu_sc as plsc

D_MODEL = 768
D_FF = 768
N_EXP = 64
SEQ = 2048
BLK = 128
NB = SEQ * 2 // BLK + N_EXP
NSLOT = NB * BLK
NA = SEQ * 2
_VECTOR_MESH = plsc.VectorSubcoreMesh(
    core_axis_name="core", subcore_axis_name="subcore")


def _router_plan_kernel(x_ref, gw_ref, logits_ref, idx_ref, wts_ref, pos_ref,
                        be_ref, nbu_ref, bound_ref):
    x = x_ref[...]
    gw = gw_ref[...]
    logits = jax.lax.dot_general(
        x, gw, (((1,), (1,)), ((), ())), preferred_element_type=jnp.float32)
    logits_ref[...] = logits

    m = jnp.max(logits, axis=1, keepdims=True)
    ex = jnp.exp(logits - m)
    probs = ex / jnp.sum(ex, axis=1, keepdims=True)
    eiota = jax.lax.broadcasted_iota(jnp.int32, (SEQ, N_EXP), 1)
    p1 = jnp.max(probs, axis=1)
    i1 = jnp.argmax(probs, axis=1).astype(jnp.int32)
    masked = jnp.where(eiota == i1[:, None], -jnp.inf, probs)
    p2 = jnp.max(masked, axis=1)
    i2 = jnp.argmax(masked, axis=1).astype(jnp.int32)
    denom = p1 + p2
    w1n = p1 / denom
    w2n = p2 / denom
    idx_ref[...] = jnp.stack([i1, i2], axis=1)
    wts_ref[...] = jnp.stack([w1n, w2n], axis=1)

    oh1 = eiota == i1[:, None]
    oh2 = eiota == i2[:, None]
    c = oh1.astype(jnp.float32) + oh2.astype(jnp.float32)
    rt = jax.lax.broadcasted_iota(jnp.int32, (SEQ, SEQ), 0)
    ct = jax.lax.broadcasted_iota(jnp.int32, (SEQ, SEQ), 1)
    lex = (ct < rt).astype(jnp.bfloat16)
    acc = jax.lax.dot_general(
        lex, c.astype(jnp.bfloat16), (((1,), (0,)), ((), ())),
        preferred_element_type=jnp.float32)

    ctot = jnp.sum(c, axis=0, keepdims=True)
    ctot_i = ctot.astype(jnp.int32)
    cpad = ((ctot_i + BLK - 1) // BLK) * BLK
    re = jax.lax.broadcasted_iota(jnp.int32, (N_EXP, N_EXP), 0)
    ce = jax.lax.broadcasted_iota(jnp.int32, (N_EXP, N_EXP), 1)
    uex = (re < ce).astype(jnp.bfloat16)
    po = jax.lax.dot_general(
        cpad.astype(jnp.bfloat16), uex, (((1,), (0,)), ((), ())),
        preferred_element_type=jnp.float32)

    pos0 = jnp.sum(jnp.where(oh1, acc + po, 0.0), axis=1).astype(jnp.int32)
    pos1 = jnp.sum(jnp.where(oh2, acc + po, 0.0), axis=1).astype(jnp.int32)
    pos_ref[...] = jnp.stack([pos0, pos1], axis=1)

    po_i = po.astype(jnp.int32)
    bound_ref[...] = po_i + ctot_i
    bpad = po_i + cpad
    bstart = jax.lax.broadcasted_iota(jnp.int32, (NB, N_EXP), 0) * BLK
    be_raw = jnp.sum((bpad <= bstart).astype(jnp.int32), axis=1)
    eiota_row = jax.lax.broadcasted_iota(jnp.int32, (1, N_EXP), 1)
    last_used = jnp.max(jnp.where(ctot_i > 0, eiota_row, 0))
    be_ref[...] = jnp.minimum(be_raw, last_used)[None, :]
    nbu = jnp.sum(cpad) // BLK
    nbu_ref[...] = jnp.full((1, 8), nbu, jnp.int32)


_N_UNITS = 32
_PER_UNIT = NA // _N_UNITS
_SUBW = 32


def _sc_dispatch(x2, tokf, posf):
    @pl.kernel(
        out_type=jax.ShapeDtypeStruct((NSLOT, D_MODEL), jnp.float32),
        mesh=_VECTOR_MESH,
        scratch_types=[pltpu.VMEM((_PER_UNIT,), jnp.int32),
                       pltpu.VMEM((_PER_UNIT,), jnp.int32),
                       pltpu.VMEM((_SUBW, D_MODEL), jnp.float32)])
    def k(x_hbm, tok_hbm, pos_hbm, xs_hbm, tokbuf, posbuf, xbuf):
        cid = jax.lax.axis_index("core")
        sid = jax.lax.axis_index("subcore")
        u = cid * 16 + sid
        pltpu.sync_copy(tok_hbm.at[0, pl.ds(u * _PER_UNIT, _PER_UNIT)], tokbuf)
        pltpu.sync_copy(pos_hbm.at[0, pl.ds(u * _PER_UNIT, _PER_UNIT)], posbuf)

        @pl.loop(0, _PER_UNIT // _SUBW)
        def _(w):
            pltpu.sync_copy(x_hbm.at[tokbuf.at[pl.ds(w * _SUBW, _SUBW)]], xbuf)
            pltpu.sync_copy(xbuf, xs_hbm.at[posbuf.at[pl.ds(w * _SUBW, _SUBW)]])

    return k(x2, tokf, posf)


def _expert_gemm_kernel(be_ref, nbu_ref, bound_ref, xs_ref, W1_ref,
                        b1_ref, W2_ref, b2_ref, ys_ref):
    b = pl.program_id(0)

    @pl.when(b < nbu_ref[0, 0])
    def _():
        e = be_ref[0, b]
        limit = bound_ref[0, e]
        riota = jax.lax.broadcasted_iota(jnp.int32, (BLK, 1), 0) + b * BLK
        valid = riota < limit
        xs = jnp.where(valid, xs_ref[...], 0.0)
        h = jax.lax.dot_general(
            xs, W1_ref[0], (((1,), (1,)), ((), ())),
            preferred_element_type=jnp.float32)
        h = jnp.maximum(h + b1_ref[0, 0], 0.0)
        y = jax.lax.dot_general(
            h, W2_ref[0], (((1,), (1,)), ((), ())),
            preferred_element_type=jnp.float32)
        y = y + b2_ref[0, 0]
        ys_ref[...] = y


def _sc_combine(ys, posf):
    @pl.kernel(
        out_type=jax.ShapeDtypeStruct((NA, D_MODEL), jnp.float32),
        mesh=_VECTOR_MESH,
        scratch_types=[pltpu.VMEM((_PER_UNIT,), jnp.int32),
                       pltpu.VMEM((_SUBW, D_MODEL), jnp.float32)])
    def k(ys_hbm, pos_hbm, yg_hbm, posbuf, buf):
        cid = jax.lax.axis_index("core")
        sid = jax.lax.axis_index("subcore")
        u = cid * 16 + sid
        pltpu.sync_copy(pos_hbm.at[0, pl.ds(u * _PER_UNIT, _PER_UNIT)], posbuf)

        @pl.loop(0, _PER_UNIT // _SUBW)
        def _(w):
            pltpu.sync_copy(ys_hbm.at[posbuf.at[pl.ds(w * _SUBW, _SUBW)]], buf)
            pltpu.sync_copy(
                buf, yg_hbm.at[pl.ds(u * _PER_UNIT + w * _SUBW, _SUBW)])

    return k(ys, posf)


def _pair_add_kernel(yg_ref, wts_ref, out_ref):
    out_ref[...] = (yg_ref[:, 0, :] * wts_ref[:, 0:1]
                    + yg_ref[:, 1, :] * wts_ref[:, 1:2])


@functools.partial(jax.jit)
def kernel(x, gate_W, W1, b1, W2, b2):
    batch, seq, d = x.shape
    x2 = x.reshape(seq, d)

    logits, idx, wts, pos, be, nbu, bound = pl.pallas_call(
        _router_plan_kernel,
        out_shape=[
            jax.ShapeDtypeStruct((seq, N_EXP), jnp.float32),
            jax.ShapeDtypeStruct((seq, 2), jnp.int32),
            jax.ShapeDtypeStruct((seq, 2), jnp.float32),
            jax.ShapeDtypeStruct((seq, 2), jnp.int32),
            jax.ShapeDtypeStruct((1, NB), jnp.int32),
            jax.ShapeDtypeStruct((1, 8), jnp.int32),
            jax.ShapeDtypeStruct((1, N_EXP), jnp.int32),
        ],
    )(x2, gate_W)

    posf = pos.reshape(1, NA)
    tokf = (jnp.arange(NA, dtype=jnp.int32) // 2).reshape(1, NA)

    xs = _sc_dispatch(x2, tokf, posf)

    b1r = b1.reshape(N_EXP, 1, D_FF)
    b2r = b2.reshape(N_EXP, 1, d)
    grid_spec = pltpu.PrefetchScalarGridSpec(
        num_scalar_prefetch=3,
        grid=(NB,),
        in_specs=[
            pl.BlockSpec((BLK, d),
                         lambda b, be, nbu, bd: (jnp.minimum(b, nbu[0, 0] - 1), 0)),
            pl.BlockSpec((1, D_FF, d), lambda b, be, nbu, bd: (be[0, b], 0, 0)),
            pl.BlockSpec((1, 1, D_FF), lambda b, be, nbu, bd: (be[0, b], 0, 0)),
            pl.BlockSpec((1, d, D_FF), lambda b, be, nbu, bd: (be[0, b], 0, 0)),
            pl.BlockSpec((1, 1, d), lambda b, be, nbu, bd: (be[0, b], 0, 0)),
        ],
        out_specs=pl.BlockSpec(
            (BLK, d), lambda b, be, nbu, bd: (jnp.minimum(b, nbu[0, 0] - 1), 0)),
    )
    ys = pl.pallas_call(
        _expert_gemm_kernel,
        grid_spec=grid_spec,
        out_shape=jax.ShapeDtypeStruct((NSLOT, d), jnp.float32),
    )(be, nbu, bound, xs, W1, b1r, W2, b2r)

    yg = _sc_combine(ys, posf)

    out = pl.pallas_call(
        _pair_add_kernel,
        out_shape=jax.ShapeDtypeStruct((seq, d), jnp.float32),
    )(yg.reshape(seq, 2, d), wts)

    return (out.reshape(batch, seq, d), logits.reshape(batch, seq, N_EXP),
            idx.reshape(batch, seq, 2), wts.reshape(batch, seq, 2))

# --- scband reference (transcript-rebuilt; emitter-appended) ---
"""Pipeline reference for scband-mo-elayer-2645699854602 (READ-ONLY COPY).

The authoritative reference and input builder live on the scoring server;
editing this copy changes nothing except your own understanding.
"""

import jax, jax.numpy as jnp
import numpy as np

D_MODEL = 768
D_FF = 768
NUM_EXPERTS = 64
TOP_K = 2
BATCH = 1
SEQ_LEN = 2048


def setup_inputs(seed: int = 0) -> dict:
    key = jax.random.key(seed)
    ks = jax.random.split(key, 5)
    x = jax.random.normal(ks[0], (BATCH, SEQ_LEN, D_MODEL), dtype=jnp.float32)
    gate_W = jax.random.normal(ks[1], (NUM_EXPERTS, D_MODEL), dtype=jnp.float32) * (1.0 / np.sqrt(D_MODEL))
    W1 = jax.random.normal(ks[2], (NUM_EXPERTS, D_FF, D_MODEL), dtype=jnp.float32) * (1.0 / np.sqrt(D_MODEL))
    b1 = jnp.zeros((NUM_EXPERTS, D_FF), dtype=jnp.float32)
    W2 = jax.random.normal(ks[3], (NUM_EXPERTS, D_MODEL, D_FF), dtype=jnp.float32) * (1.0 / np.sqrt(D_FF))
    b2 = jnp.zeros((NUM_EXPERTS, D_MODEL), dtype=jnp.float32)
    return {"x": x, "gate_W": gate_W, "W1": W1, "b1": b1, "W2": W2, "b2": b2}


def reference(x, gate_W, W1, b1, W2, b2):
    batch, seq_len, d_model = x.shape
    E = gate_W.shape[0]
    # Router: logits -> softmax -> top-k -> renormalize
    router_logits = jnp.einsum('bsd,ed->bse', x, gate_W)
    router_probs = jax.nn.softmax(router_logits, axis=-1)
    top_k_weights, top_k_indices = jax.lax.top_k(router_probs, TOP_K)
    top_k_weights = top_k_weights / jnp.sum(top_k_weights, axis=-1, keepdims=True)
    # Dispatch tokens to experts
    x_flat = x.reshape(-1, d_model)
    w_flat = top_k_weights.reshape(-1, TOP_K)
    idx_flat = top_k_indices.reshape(-1, TOP_K)
    output_flat = jnp.zeros_like(x_flat)
    for k in range(TOP_K):
        eidx = idx_flat[:, k]
        for e in range(E):
            h = jax.nn.relu(x_flat @ W1[e].T + b1[e])
            expert_output = h @ W2[e].T + b2[e]
            w = jnp.where(eidx == e, w_flat[:, k], jnp.float32(0.0))
            output_flat = output_flat + w[:, None] * expert_output
    output = output_flat.reshape(batch, seq_len, d_model)
    return (output, router_logits, top_k_indices, top_k_weights)

if __name__ == "__main__":
    import jax
    _d = setup_inputs()
    print(jax.jit(kernel)(*tuple(_d.values())))

</pallas_src>

<mosaic_0001>
#map = affine_map<(d0, d1) -> (0, 0)>
module attributes {stable_mosaic.version = 14 : i64} {
  func.func @k(%arg0: i32, %arg1: i32, %arg2: memref<2048x768xf32, #tpu.memory_space<hbm>>, %arg3: memref<1x4096xi32, #tpu.memory_space<hbm>>, %arg4: memref<1x4096xi32, #tpu.memory_space<hbm>>, %arg5: memref<12288x768xf32, #tpu.memory_space<hbm>>, %arg6: memref<128xi32, #tpu.memory_space<vmem>>, %arg7: memref<128xi32, #tpu.memory_space<vmem>>, %arg8: memref<32x768xf32, #tpu.memory_space<vmem>>) attributes {dimension_semantics = [#tpu.dimension_semantics<core_parallel>, #tpu.dimension_semantics<subcore_parallel>], iteration_bounds = array<i64: 2, 16>, scalar_prefetch = 0 : i64, scratch_operands = 3 : i64, tpu.core_type = #tpu.core_type<sc_vector_subcore>, window_params = [{transform_indices = #map}, {transform_indices = #map}, {transform_indices = #map}, {transform_indices = #map}]} {
    %mul3A = arith.constant 16 : i32
    %mul3A_0 = arith.muli %arg0, %mul3A : i32
    %add3A = arith.addi %mul3A_0, %arg1 : i32
    %mul3A_1 = arith.constant 128 : i32
    %mul3A_2 = arith.muli %add3A, %mul3A_1 : i32
    %run_scoped3A = arith.constant 0 : i32
    "tpu.region"() ({
      %run_scoped3A_10 = tpu.sem_alloc : memref<!tpu.dma_semaphore, #tpu.memory_space<semaphore_mem>>
      %dma_start3A = tpu.memref_slice %arg3[%run_scoped3A, %mul3A_2] : memref<1x4096xi32, #tpu.memory_space<hbm>> -> memref<1x128xi32, #tpu.memory_space<hbm>>
      %dma_start3A_11 = tpu.memref_squeeze %dma_start3A : memref<1x128xi32, #tpu.memory_space<hbm>> -> memref<128xi32, #tpu.memory_space<hbm>>
      %dma_start3A_12 = tpu.memref_slice %arg3[%run_scoped3A, %mul3A_2] : memref<1x4096xi32, #tpu.memory_space<hbm>> -> memref<1x128xi32, #tpu.memory_space<hbm>>
      %dma_start3A_13 = tpu.memref_squeeze %dma_start3A_12 : memref<1x128xi32, #tpu.memory_space<hbm>> -> memref<128xi32, #tpu.memory_space<hbm>>
      tpu.enqueue_dma source(%dma_start3A_13 : memref<128xi32, #tpu.memory_space<hbm>>) target(%arg6 : memref<128xi32, #tpu.memory_space<vmem>>) target_semaphore(%run_scoped3A_10 : memref<!tpu.dma_semaphore, #tpu.memory_space<semaphore_mem>>)
      %dma_wait3A = tpu.memref_slice %arg3[%run_scoped3A, %mul3A_2] : memref<1x4096xi32, #tpu.memory_space<hbm>> -> memref<1x128xi32, #tpu.memory_space<hbm>>
      %dma_wait3A_14 = tpu.memref_squeeze %dma_wait3A : memref<1x128xi32, #tpu.memory_space<hbm>> -> memref<128xi32, #tpu.memory_space<hbm>>
      %dma_wait3A_15 = tpu.memref_slice %arg3[%run_scoped3A, %mul3A_2] : memref<1x4096xi32, #tpu.memory_space<hbm>> -> memref<1x128xi32, #tpu.memory_space<hbm>>
      %dma_wait3A_16 = tpu.memref_squeeze %dma_wait3A_15 : memref<1x128xi32, #tpu.memory_space<hbm>> -> memref<128xi32, #tpu.memory_space<hbm>>
      tpu.wait_dma2 semaphore(%run_scoped3A_10 : memref<!tpu.dma_semaphore, #tpu.memory_space<semaphore_mem>>) src(%dma_wait3A_16 : memref<128xi32, #tpu.memory_space<hbm>>) dst(%arg6 : memref<128xi32, #tpu.memory_space<vmem>>)
      tpu.yield
    }) : () -> ()
    %mul3A_3 = arith.constant 128 : i32
    %mul3A_4 = arith.muli %add3A, %mul3A_3 : i32
    %run_scoped3A_5 = arith.constant 0 : i32
    "tpu.region"() ({
      %run_scoped3A_10 = tpu.sem_alloc : memref<!tpu.dma_semaphore, #tpu.memory_space<semaphore_mem>>
      %dma_start3A = tpu.memref_slice %arg4[%run_scoped3A_5, %mul3A_4] : memref<1x4096xi32, #tpu.memory_space<hbm>> -> memref<1x128xi32, #tpu.memory_space<hbm>>
      %dma_start3A_11 = tpu.memref_squeeze %dma_start3A : memref<1x128xi32, #tpu.memory_space<hbm>> -> memref<128xi32, #tpu.memory_space<hbm>>
      %dma_start3A_12 = tpu.memref_slice %arg4[%run_scoped3A_5, %mul3A_4] : memref<1x4096xi32, #tpu.memory_space<hbm>> -> memref<1x128xi32, #tpu.memory_space<hbm>>
      %dma_start3A_13 = tpu.memref_squeeze %dma_start3A_12 : memref<1x128xi32, #tpu.memory_space<hbm>> -> memref<128xi32, #tpu.memory_space<hbm>>
      tpu.enqueue_dma source(%dma_start3A_13 : memref<128xi32, #tpu.memory_space<hbm>>) target(%arg7 : memref<128xi32, #tpu.memory_space<vmem>>) target_semaphore(%run_scoped3A_10 : memref<!tpu.dma_semaphore, #tpu.memory_space<semaphore_mem>>)
      %dma_wait3A = tpu.memref_slice %arg4[%run_scoped3A_5, %mul3A_4] : memref<1x4096xi32, #tpu.memory_space<hbm>> -> memref<1x128xi32, #tpu.memory_space<hbm>>
      %dma_wait3A_14 = tpu.memref_squeeze %dma_wait3A : memref<1x128xi32, #tpu.memory_space<hbm>> -> memref<128xi32, #tpu.memory_space<hbm>>
      %dma_wait3A_15 = tpu.memref_slice %arg4[%run_scoped3A_5, %mul3A_4] : memref<1x4096xi32, #tpu.memory_space<hbm>> -> memref<1x128xi32, #tpu.memory_space<hbm>>
      %dma_wait3A_16 = tpu.memref_squeeze %dma_wait3A_15 : memref<1x128xi32, #tpu.memory_space<hbm>> -> memref<128xi32, #tpu.memory_space<hbm>>
      tpu.wait_dma2 semaphore(%run_scoped3A_10 : memref<!tpu.dma_semaphore, #tpu.memory_space<semaphore_mem>>) src(%dma_wait3A_16 : memref<128xi32, #tpu.memory_space<hbm>>) dst(%arg7 : memref<128xi32, #tpu.memory_space<vmem>>)
      tpu.yield
    }) : () -> ()
    %scan3A = arith.constant 0 : i32
    %scan3A_6 = arith.constant 4 : i32
    %scan3A_7 = arith.addi %scan3A, %scan3A_6 : i32
    %scan3A_8 = arith.constant 1 : i32
    scf.for %scan3A_10 = %scan3A to %scan3A_7 step %scan3A_8  : i32 {
      %mul3A_11 = arith.constant 1 : i32
      %mul3A_12 = arith.muli %scan3A_10, %mul3A_11 : i32
      %add3A_13 = arith.constant 0 : i32
      %add3A_14 = arith.addi %add3A_13, %mul3A_12 : i32
      %mul3A_15 = arith.constant 32 : i32
      %mul3A_16 = arith.muli %add3A_14, %mul3A_15 : i32
      "tpu.region"() ({
        %run_scoped3A_19 = tpu.sem_alloc : memref<!tpu.dma_semaphore, #tpu.memory_space<semaphore_mem>>
        %dma_start3A = tpu.memref_slice %arg6[%mul3A_16] : memref<128xi32, #tpu.memory_space<vmem>> -> memref<32xi32, #tpu.memory_space<vmem>>
        %dma_start3A_20 = arith.constant 0 : i32
        %dma_start3A_21 = arith.constant 0 : i32
        %dma_start3A_22 = tpu.memref_slice %arg2[%dma_start3A_20, %dma_start3A_21] : memref<2048x768xf32, #tpu.memory_space<hbm>> -> memref<2048x768xf32, #tpu.memory_space<hbm>>
        tpu.enqueue_indirect_dma source(%dma_start3A_22 : memref<2048x768xf32, #tpu.memory_space<hbm>>) target(%arg8 : memref<32x768xf32, #tpu.memory_space<vmem>>) offsets(%dma_start3A : memref<32xi32, #tpu.memory_space<vmem>>) semaphore(%run_scoped3A_19 : memref<!tpu.dma_semaphore, #tpu.memory_space<semaphore_mem>>)
        %dma_wait3A = tpu.memref_slice %arg6[%mul3A_16] : memref<128xi32, #tpu.memory_space<vmem>> -> memref<32xi32, #tpu.memory_space<vmem>>
        %dma_wait3A_23 = arith.constant 0 : i32
        %dma_wait3A_24 = arith.constant 0 : i32
        %dma_wait3A_25 = tpu.memref_slice %arg2[%dma_wait3A_23, %dma_wait3A_24] : memref<2048x768xf32, #tpu.memory_space<hbm>> -> memref<2048x768xf32, #tpu.memory_space<hbm>>
        tpu.wait_indirect_dma semaphore(%run_scoped3A_19 : memref<!tpu.dma_semaphore, #tpu.memory_space<semaphore_mem>>) src(%dma_wait3A_25 : memref<2048x768xf32, #tpu.memory_space<hbm>>) dst(%arg8 : memref<32x768xf32, #tpu.memory_space<vmem>>)
        tpu.yield
      }) : () -> ()
      %mul3A_17 = arith.constant 32 : i32
      %mul3A_18 = arith.muli %add3A_14, %mul3A_17 : i32
      "tpu.region"() ({
        %run_scoped3A_19 = tpu.sem_alloc : memref<!tpu.dma_semaphore, #tpu.memory_space<semaphore_mem>>
        %dma_start3A = tpu.memref_slice %arg7[%mul3A_18] : memref<128xi32, #tpu.memory_space<vmem>> -> memref<32xi32, #tpu.memory_space<vmem>>
        %dma_start3A_20 = arith.constant 0 : i32
        %dma_start3A_21 = arith.constant 0 : i32
        %dma_start3A_22 = tpu.memref_slice %arg5[%dma_start3A_20, %dma_start3A_21] : memref<12288x768xf32, #tpu.memory_space<hbm>> -> memref<12288x768xf32, #tpu.memory_space<hbm>>
        tpu.enqueue_indirect_dma source(%arg8 : memref<32x768xf32, #tpu.memory_space<vmem>>) target(%dma_start3A_22 : memref<12288x768xf32, #tpu.memory_space<hbm>>) offsets(%dma_start3A : memref<32xi32, #tpu.memory_space<vmem>>) semaphore(%run_scoped3A_19 : memref<!tpu.dma_semaphore, #tpu.memory_space<semaphore_mem>>)
        %dma_wait3A = tpu.memref_slice %arg7[%mul3A_18] : memref<128xi32, #tpu.memory_space<vmem>> -> memref<32xi32, #tpu.memory_space<vmem>>
        %dma_wait3A_23 = arith.constant 0 : i32
        %dma_wait3A_24 = arith.constant 0 : i32
        %dma_wait3A_25 = tpu.memref_slice %arg5[%dma_wait3A_23, %dma_wait3A_24] : memref<12288x768xf32, #tpu.memory_space<hbm>> -> memref<12288x768xf32, #tpu.memory_space<hbm>>
        tpu.wait_indirect_dma semaphore(%run_scoped3A_19 : memref<!tpu.dma_semaphore, #tpu.memory_space<semaphore_mem>>) src(%arg8 : memref<32x768xf32, #tpu.memory_space<vmem>>) dst(%dma_wait3A_25 : memref<12288x768xf32, #tpu.memory_space<hbm>>)
        tpu.yield
      }) : () -> ()
    }
    %scan3A_9 = arith.constant 4 : i32
    return
  }
}

#map = affine_map<(d0, d1) -> (0, 0)>
module attributes {stable_mosaic.version = 14 : i64} {
  func.func @k(%arg0: i32, %arg1: i32, %arg2: memref<12288x768xf32, #tpu.memory_space<hbm>>, %arg3: memref<1x4096xi32, #tpu.memory_space<hbm>>, %arg4: memref<4096x768xf32, #tpu.memory_space<hbm>>, %arg5: memref<128xi32, #tpu.memory_space<vmem>>, %arg6: memref<32x768xf32, #tpu.memory_space<vmem>>) attributes {dimension_semantics = [#tpu.dimension_semantics<core_parallel>, #tpu.dimension_semantics<subcore_parallel>], iteration_bounds = array<i64: 2, 16>, scalar_prefetch = 0 : i64, scratch_operands = 2 : i64, tpu.core_type = #tpu.core_type<sc_vector_subcore>, window_params = [{transform_indices = #map}, {transform_indices = #map}, {transform_indices = #map}]} {
    %mul3A = arith.constant 16 : i32
    %mul3A_0 = arith.muli %arg0, %mul3A : i32
    %add3A = arith.addi %mul3A_0, %arg1 : i32
    %mul3A_1 = arith.constant 128 : i32
    %mul3A_2 = arith.muli %add3A, %mul3A_1 : i32
    %run_scoped3A = arith.constant 0 : i32
    "tpu.region"() ({
      %run_scoped3A_7 = tpu.sem_alloc : memref<!tpu.dma_semaphore, #tpu.memory_space<semaphore_mem>>
      %dma_start3A = tpu.memref_slice %arg3[%run_scoped3A, %mul3A_2] : memref<1x4096xi32, #tpu.memory_space<hbm>> -> memref<1x128xi32, #tpu.memory_space<hbm>>
      %dma_start3A_8 = tpu.memref_squeeze %dma_start3A : memref<1x128xi32, #tpu.memory_space<hbm>> -> memref<128xi32, #tpu.memory_space<hbm>>
      %dma_start3A_9 = tpu.memref_slice %arg3[%run_scoped3A, %mul3A_2] : memref<1x4096xi32, #tpu.memory_space<hbm>> -> memref<1x128xi32, #tpu.memory_space<hbm>>
      %dma_start3A_10 = tpu.memref_squeeze %dma_start3A_9 : memref<1x128xi32, #tpu.memory_space<hbm>> -> memref<128xi32, #tpu.memory_space<hbm>>
      tpu.enqueue_dma source(%dma_start3A_10 : memref<128xi32, #tpu.memory_space<hbm>>) target(%arg5 : memref<128xi32, #tpu.memory_space<vmem>>) target_semaphore(%run_scoped3A_7 : memref<!tpu.dma_semaphore, #tpu.memory_space<semaphore_mem>>)
      %dma_wait3A = tpu.memref_slice %arg3[%run_scoped3A, %mul3A_2] : memref<1x4096xi32, #tpu.memory_space<hbm>> -> memref<1x128xi32, #tpu.memory_space<hbm>>
      %dma_wait3A_11 = tpu.memref_squeeze %dma_wait3A : memref<1x128xi32, #tpu.memory_space<hbm>> -> memref<128xi32, #tpu.memory_space<hbm>>
      %dma_wait3A_12 = tpu.memref_slice %arg3[%run_scoped3A, %mul3A_2] : memref<1x4096xi32, #tpu.memory_space<hbm>> -> memref<1x128xi32, #tpu.memory_space<hbm>>
      %dma_wait3A_13 = tpu.memref_squeeze %dma_wait3A_12 : memref<1x128xi32, #tpu.memory_space<hbm>> -> memref<128xi32, #tpu.memory_space<hbm>>
      tpu.wait_dma2 semaphore(%run_scoped3A_7 : memref<!tpu.dma_semaphore, #tpu.memory_space<semaphore_mem>>) src(%dma_wait3A_13 : memref<128xi32, #tpu.memory_space<hbm>>) dst(%arg5 : memref<128xi32, #tpu.memory_space<vmem>>)
      tpu.yield
    }) : () -> ()
    %scan3A = arith.constant 0 : i32
    %scan3A_3 = arith.constant 4 : i32
    %scan3A_4 = arith.addi %scan3A, %scan3A_3 : i32
    %scan3A_5 = arith.constant 1 : i32
    scf.for %scan3A_7 = %scan3A to %scan3A_4 step %scan3A_5  : i32 {
      %mul3A_8 = arith.constant 1 : i32
      %mul3A_9 = arith.muli %scan3A_7, %mul3A_8 : i32
      %add3A_10 = arith.constant 0 : i32
      %add3A_11 = arith.addi %add3A_10, %mul3A_9 : i32
      %mul3A_12 = arith.constant 32 : i32
      %mul3A_13 = arith.muli %add3A_11, %mul3A_12 : i32
      "tpu.region"() ({
        %run_scoped3A_19 = tpu.sem_alloc : memref<!tpu.dma_semaphore, #tpu.memory_space<semaphore_mem>>
        %dma_start3A = tpu.memref_slice %arg5[%mul3A_13] : memref<128xi32, #tpu.memory_space<vmem>> -> memref<32xi32, #tpu.memory_space<vmem>>
        %dma_start3A_20 = arith.constant 0 : i32
        %dma_start3A_21 = arith.constant 0 : i32
        %dma_start3A_22 = tpu.memref_slice %arg2[%dma_start3A_20, %dma_start3A_21] : memref<12288x768xf32, #tpu.memory_space<hbm>> -> memref<12288x768xf32, #tpu.memory_space<hbm>>
        tpu.enqueue_indirect_dma source(%dma_start3A_22 : memref<12288x768xf32, #tpu.memory_space<hbm>>) target(%arg6 : memref<32x768xf32, #tpu.memory_space<vmem>>) offsets(%dma_start3A : memref<32xi32, #tpu.memory_space<vmem>>) semaphore(%run_scoped3A_19 : memref<!tpu.dma_semaphore, #tpu.memory_space<semaphore_mem>>)
        %dma_wait3A = tpu.memref_slice %arg5[%mul3A_13] : memref<128xi32, #tpu.memory_space<vmem>> -> memref<32xi32, #tpu.memory_space<vmem>>
        %dma_wait3A_23 = arith.constant 0 : i32
        %dma_wait3A_24 = arith.constant 0 : i32
        %dma_wait3A_25 = tpu.memref_slice %arg2[%dma_wait3A_23, %dma_wait3A_24] : memref<12288x768xf32, #tpu.memory_space<hbm>> -> memref<12288x768xf32, #tpu.memory_space<hbm>>
        tpu.wait_indirect_dma semaphore(%run_scoped3A_19 : memref<!tpu.dma_semaphore, #tpu.memory_space<semaphore_mem>>) src(%dma_wait3A_25 : memref<12288x768xf32, #tpu.memory_space<hbm>>) dst(%arg6 : memref<32x768xf32, #tpu.memory_space<vmem>>)
        tpu.yield
      }) : () -> ()
      %mul3A_14 = arith.constant 128 : i32
      %mul3A_15 = arith.muli %add3A, %mul3A_14 : i32
      %mul3A_16 = arith.constant 32 : i32
      %mul3A_17 = arith.muli %add3A_11, %mul3A_16 : i32
      %add3A_18 = arith.addi %mul3A_15, %mul3A_17 : i32
      "tpu.region"() ({
        %run_scoped3A_19 = tpu.sem_alloc : memref<!tpu.dma_semaphore, #tpu.memory_space<semaphore_mem>>
        %dma_start3A = arith.constant 0 : i32
        %dma_start3A_20 = tpu.memref_slice %arg4[%add3A_18, %dma_start3A] : memref<4096x768xf32, #tpu.memory_space<hbm>> -> memref<32x768xf32, #tpu.memory_space<hbm>>
        %dma_start3A_21 = arith.constant 0 : i32
        %dma_start3A_22 = tpu.memref_slice %arg4[%add3A_18, %dma_start3A_21] : memref<4096x768xf32, #tpu.memory_space<hbm>> -> memref<32x768xf32, #tpu.memory_space<hbm>>
        tpu.enqueue_dma source(%arg6 : memref<32x768xf32, #tpu.memory_space<vmem>>) target(%dma_start3A_22 : memref<32x768xf32, #tpu.memory_space<hbm>>) target_semaphore(%run_scoped3A_19 : memref<!tpu.dma_semaphore, #tpu.memory_space<semaphore_mem>>)
        %dma_wait3A = arith.constant 0 : i32
        %dma_wait3A_23 = tpu.memref_slice %arg4[%add3A_18, %dma_wait3A] : memref<4096x768xf32, #tpu.memory_space<hbm>> -> memref<32x768xf32, #tpu.memory_space<hbm>>
        %dma_wait3A_24 = arith.constant 0 : i32
        %dma_wait3A_25 = tpu.memref_slice %arg4[%add3A_18, %dma_wait3A_24] : memref<4096x768xf32, #tpu.memory_space<hbm>> -> memref<32x768xf32, #tpu.memory_space<hbm>>
        tpu.wait_dma2 semaphore(%run_scoped3A_19 : memref<!tpu.dma_semaphore, #tpu.memory_space<semaphore_mem>>) src(%arg6 : memref<32x768xf32, #tpu.memory_space<vmem>>) dst(%dma_wait3A_25 : memref<32x768xf32, #tpu.memory_space<hbm>>)
        tpu.yield
      }) : () -> ()
    }
    %scan3A_6 = arith.constant 4 : i32
    return
  }
}

module attributes {stable_mosaic.version = 14 : i64} {
  func.func @_router_plan_kernel(%arg0: memref<2048x768xf32, #tpu.memory_space<vmem>>, %arg1: memref<64x768xf32, #tpu.memory_space<vmem>>, %arg2: memref<2048x64xf32, #tpu.memory_space<vmem>>, %arg3: memref<2048x2xi32, #tpu.memory_space<vmem>>, %arg4: memref<2048x2xf32, #tpu.memory_space<vmem>>, %arg5: memref<2048x2xi32, #tpu.memory_space<vmem>>, %arg6: memref<1x96xi32, #tpu.memory_space<vmem>>, %arg7: memref<1x8xi32, #tpu.memory_space<vmem>>, %arg8: memref<1x64xi32, #tpu.memory_space<vmem>>) attributes {dimension_semantics = [], scalar_prefetch = 0 : i64, scratch_operands = 0 : i64, tpu.core_type = #tpu.core_type<tc>} {
    %get3A = arith.constant 0 : index
    %get3A_0 = arith.constant 0 : index
    %get3A_1 = vector.load %arg0[%get3A, %get3A_0] : memref<2048x768xf32, #tpu.memory_space<vmem>>, vector<2048x768xf32>
    %get3A_2 = arith.constant 0 : index
    %get3A_3 = arith.constant 0 : index
    %get3A_4 = vector.load %arg1[%get3A_2, %get3A_3] : memref<64x768xf32, #tpu.memory_space<vmem>>, vector<64x768xf32>
    %dot_general3A = arith.constant dense<0.000000e+00> : vector<2048x64xf32>
    %dot_general3A_5 = tpu.matmul %get3A_1, %get3A_4, %dot_general3A {dimension_numbers = #tpu.dot_dimension_numbers<[1], [1], [0], [0], [0, 0, 1, 0], [], []>, transpose_lhs_hint = false} : vector<2048x768xf32>, vector<64x768xf32>, vector<2048x64xf32> -> vector<2048x64xf32>
    %swap3A = arith.constant 0 : index
    %swap3A_6 = arith.constant 0 : index
    %swap3A_7 = vector.load %arg2[%swap3A, %swap3A_6] : memref<2048x64xf32, #tpu.memory_space<vmem>>, vector<2048x64xf32>
    tpu.vector_store %arg2[%swap3A, %swap3A_6], %dot_general3A_5 {strides = array<i32>} : memref<2048x64xf32, #tpu.memory_space<vmem>>, vector<2048x64xf32>,
    %reduce_max3A = arith.constant dense<0xFF800000> : vector<2048xf32>
    %reduce_max3A_8 = vector.multi_reduction <maximumf>, %dot_general3A_5, %reduce_max3A [1] : vector<2048x64xf32> to vector<2048xf32>
    %broadcast_in_dim3A = vector.shape_cast %reduce_max3A_8 : vector<2048xf32> to vector<2048x1xf32>
    %sub3A = vector.broadcast %broadcast_in_dim3A : vector<2048x1xf32> to vector<2048x64xf32>
    %sub3A_9 = arith.subf %dot_general3A_5, %sub3A : vector<2048x64xf32>
    %exp3A = math.exp %sub3A_9 : vector<2048x64xf32>
    %reduce_sum3A = arith.constant dense<0.000000e+00> : vector<2048xf32>
    %reduce_sum3A_10 = vector.multi_reduction <add>, %exp3A, %reduce_sum3A [1] : vector<2048x64xf32> to vector<2048xf32>
    %broadcast_in_dim3A_11 = vector.shape_cast %reduce_sum3A_10 : vector<2048xf32> to vector<2048x1xf32>
    %div3A = vector.broadcast %broadcast_in_dim3A_11 : vector<2048x1xf32> to vector<2048x64xf32>
    %div3A_12 = arith.divf %exp3A, %div3A : vector<2048x64xf32>
    %iota3A = tpu.iota {dimensions = array<i32: 1>} : vector<2048x64xi32>
    %reduce_max3A_13 = arith.constant dense<0xFF800000> : vector<2048xf32>
    %reduce_max3A_14 = vector.multi_reduction <maximumf>, %div3A_12, %reduce_max3A_13 [1] : vector<2048x64xf32> to vector<2048xf32>
    %argmax3A = tpu.reduce_index %div3A_12 {axis = 1 : i32, kind = #tpu.reduction_kind<arg_max>} : vector<2048x64xf32> -> vector<2048xi32>
    %broadcast_in_dim3A_15 = vector.shape_cast %argmax3A : vector<2048xi32> to vector<2048x1xi32>
    %eq3A = vector.broadcast %broadcast_in_dim3A_15 : vector<2048x1xi32> to vector<2048x64xi32>
    %eq3A_16 = arith.cmpi eq, %iota3A, %eq3A : vector<2048x64xi32>
    %jit3A = arith.constant 0xFF800000 : f32
    %broadcast_in_dim3A_17 = vector.broadcast %jit3A : f32 to vector<2048x64xf32>
    %select_n3A = arith.select %eq3A_16, %broadcast_in_dim3A_17, %div3A_12 : vector<2048x64xi1>, vector<2048x64xf32>
    %reduce_max3A_18 = arith.constant dense<0xFF800000> : vector<2048xf32>
    %reduce_max3A_19 = vector.multi_reduction <maximumf>, %select_n3A, %reduce_max3A_18 [1] : vector<2048x64xf32> to vector<2048xf32>
    %argmax3A_20 = tpu.reduce_index %select_n3A {axis = 1 : i32, kind = #tpu.reduction_kind<arg_max>} : vector<2048x64xf32> -> vector<2048xi32>
    %add3A = arith.addf %reduce_max3A_14, %reduce_max3A_19 : vector<2048xf32>
    %div3A_21 = arith.divf %reduce_max3A_14, %add3A : vector<2048xf32>
    %div3A_22 = arith.divf %reduce_max3A_19, %add3A : vector<2048xf32>
    %stack3A = vector.shape_cast %argmax3A : vector<2048xi32> to vector<2048x1xi32>
    %stack3A_23 = vector.shape_cast %argmax3A_20 : vector<2048xi32> to vector<2048x1xi32>
    %stack3A_24 = tpu.concatenate %stack3A, %stack3A_23 in 1 : vector<2048x1xi32>, vector<2048x1xi32> -> vector<2048x2xi32>
    %swap3A_25 = arith.constant 0 : index
    %swap3A_26 = arith.constant 0 : index
    %swap3A_27 = vector.load %arg3[%swap3A_25, %swap3A_26] : memref<2048x2xi32, #tpu.memory_space<vmem>>, vector<2048x2xi32>
    tpu.vector_store %arg3[%swap3A_25, %swap3A_26], %stack3A_24 {strides = array<i32>} : memref<2048x2xi32, #tpu.memory_space<vmem>>, vector<2048x2xi32>,
    %stack3A_28 = vector.shape_cast %div3A_21 : vector<2048xf32> to vector<2048x1xf32>
    %stack3A_29 = vector.shape_cast %div3A_22 : vector<2048xf32> to vector<2048x1xf32>
    %stack3A_30 = tpu.concatenate %stack3A_28, %stack3A_29 in 1 : vector<2048x1xf32>, vector<2048x1xf32> -> vector<2048x2xf32>
    %swap3A_31 = arith.constant 0 : index
    %swap3A_32 = arith.constant 0 : index
    %swap3A_33 = vector.load %arg4[%swap3A_31, %swap3A_32] : memref<2048x2xf32, #tpu.memory_space<vmem>>, vector<2048x2xf32>
    tpu.vector_store %arg4[%swap3A_31, %swap3A_32], %stack3A_30 {strides = array<i32>} : memref<2048x2xf32, #tpu.memory_space<vmem>>, vector<2048x2xf32>,
    %broadcast_in_dim3A_34 = vector.shape_cast %argmax3A : vector<2048xi32> to vector<2048x1xi32>
    %eq3A_35 = vector.broadcast %broadcast_in_dim3A_34 : vector<2048x1xi32> to vector<2048x64xi32>
    %eq3A_36 = arith.cmpi eq, %iota3A, %eq3A_35 : vector<2048x64xi32>
    %broadcast_in_dim3A_37 = vector.shape_cast %argmax3A_20 : vector<2048xi32> to vector<2048x1xi32>
    %eq3A_38 = vector.broadcast %broadcast_in_dim3A_37 : vector<2048x1xi32> to vector<2048x64xi32>
    %eq3A_39 = arith.cmpi eq, %iota3A, %eq3A_38 : vector<2048x64xi32>
    %convert_element_type3A = arith.extui %eq3A_36 : vector<2048x64xi1> to vector<2048x64xi32>
    %convert_element_type3A_40 = arith.sitofp %convert_element_type3A : vector<2048x64xi32> to vector<2048x64xf32>
    %convert_element_type3A_41 = arith.extui %eq3A_39 : vector<2048x64xi1> to vector<2048x64xi32>
    %convert_element_type3A_42 = arith.sitofp %convert_element_type3A_41 : vector<2048x64xi32> to vector<2048x64xf32>
    %add3A_43 = arith.addf %convert_element_type3A_40, %convert_element_type3A_42 : vector<2048x64xf32>
    %iota3A_44 = tpu.iota {dimensions = array<i32: 0>} : vector<2048x2048xi32>
    %iota3A_45 = tpu.iota {dimensions = array<i32: 1>} : vector<2048x2048xi32>
    %lt3A = arith.cmpi slt, %iota3A_45, %iota3A_44 : vector<2048x2048xi32>
    %convert_element_type3A_46 = arith.extui %lt3A : vector<2048x2048xi1> to vector<2048x2048xi32>
    %convert_element_type3A_47 = arith.sitofp %convert_element_type3A_46 : vector<2048x2048xi32> to vector<2048x2048xf32>
    %convert_element_type3A_48 = arith.truncf %convert_element_type3A_47 : vector<2048x2048xf32> to vector<2048x2048xbf16>
    %convert_element_type3A_49 = arith.truncf %add3A_43 : vector<2048x64xf32> to vector<2048x64xbf16>
    %dot_general3A_50 = arith.constant dense<0.000000e+00> : vector<2048x64xf32>
    %dot_general3A_51 = tpu.matmul %convert_element_type3A_48, %convert_element_type3A_49, %dot_general3A_50 {dimension_numbers = #tpu.dot_dimension_numbers<[1], [0], [0], [1], [0, 0, 1, 1], [], []>, transpose_lhs_hint = false} : vector<2048x2048xbf16>, vector<2048x64xbf16>, vector<2048x64xf32> -> vector<2048x64xf32>
    %reduce_sum3A_52 = arith.constant dense<0.000000e+00> : vector<64xf32>
    %reduce_sum3A_53 = vector.multi_reduction <add>, %add3A_43, %reduce_sum3A_52 [0] : vector<2048x64xf32> to vector<64xf32>
    %broadcast_in_dim3A_54 = vector.shape_cast %reduce_sum3A_53 : vector<64xf32> to vector<1x64xf32>
    %convert_element_type3A_55 = arith.fptosi %broadcast_in_dim3A_54 : vector<1x64xf32> to vector<1x64xi32>
    %add3A_56 = arith.constant 128 : i32
    %add3A_57 = vector.broadcast %add3A_56 : i32 to vector<1x64xi32>
    %add3A_58 = arith.addi %convert_element_type3A_55, %add3A_57 : vector<1x64xi32>
    %sub3A_59 = arith.constant 1 : i32
    %sub3A_60 = vector.broadcast %sub3A_59 : i32 to vector<1x64xi32>
    %sub3A_61 = arith.subi %add3A_58, %sub3A_60 : vector<1x64xi32>
    %jit3A_62 = arith.constant 128 : i32
    %div3A_63 = vector.broadcast %jit3A_62 : i32 to vector<1x64xi32>
    %div3A_64 = arith.divsi %sub3A_61, %div3A_63 : vector<1x64xi32>
    %sign3A = arith.constant 0 : i32
    %sign3A_65 = vector.broadcast %sign3A : i32 to vector<1x64xi32>
    %sign3A_66 = arith.cmpi sgt, %sub3A_61, %sign3A_65 : vector<1x64xi32>
    %sign3A_67 = arith.extui %sign3A_66 : vector<1x64xi1> to vector<1x64xi32>
    %sign3A_68 = arith.constant 0 : i32
    %sign3A_69 = vector.broadcast %sign3A_68 : i32 to vector<1x64xi32>
    %sign3A_70 = arith.cmpi slt, %sub3A_61, %sign3A_69 : vector<1x64xi32>
    %sign3A_71 = arith.extui %sign3A_70 : vector<1x64xi1> to vector<1x64xi32>
    %sign3A_72 = arith.subi %sign3A_67, %sign3A_71 : vector<1x64xi32>
    %sign3A_73 = arith.constant 0 : i32
    %sign3A_74 = arith.cmpi sgt, %jit3A_62, %sign3A_73 : i32
    %sign3A_75 = arith.extui %sign3A_74 : i1 to i32
    %sign3A_76 = arith.constant 0 : i32
    %sign3A_77 = arith.cmpi slt, %jit3A_62, %sign3A_76 : i32
    %sign3A_78 = arith.extui %sign3A_77 : i1 to i32
    %sign3A_79 = arith.subi %sign3A_75, %sign3A_78 : i32
    %ne3A = vector.broadcast %sign3A_79 : i32 to vector<1x64xi32>
    %ne3A_80 = arith.cmpi ne, %sign3A_72, %ne3A : vector<1x64xi32>
    %rem3A = vector.broadcast %jit3A_62 : i32 to vector<1x64xi32>
    %rem3A_81 = arith.remsi %sub3A_61, %rem3A : vector<1x64xi32>
    %ne3A_82 = arith.constant 0 : i32
    %ne3A_83 = vector.broadcast %ne3A_82 : i32 to vector<1x64xi32>
    %ne3A_84 = arith.cmpi ne, %rem3A_81, %ne3A_83 : vector<1x64xi32>
    %and3A = arith.andi %ne3A_80, %ne3A_84 : vector<1x64xi1>
    %sub3A_85 = arith.constant 1 : i32
    %sub3A_86 = vector.broadcast %sub3A_85 : i32 to vector<1x64xi32>
    %sub3A_87 = arith.subi %div3A_64, %sub3A_86 : vector<1x64xi32>
    %select_n3A_88 = arith.select %and3A, %sub3A_87, %div3A_64 : vector<1x64xi1>, vector<1x64xi32>
    %mul3A = arith.constant 128 : i32
    %mul3A_89 = vector.broadcast %mul3A : i32 to vector<1x64xi32>
    %mul3A_90 = arith.muli %select_n3A_88, %mul3A_89 : vector<1x64xi32>
    %iota3A_91 = tpu.iota {dimensions = array<i32: 0>} : vector<64x64xi32>
    %iota3A_92 = tpu.iota {dimensions = array<i32: 1>} : vector<64x64xi32>
    %lt3A_93 = arith.cmpi slt, %iota3A_91, %iota3A_92 : vector<64x64xi32>
    %convert_element_type3A_94 = arith.extui %lt3A_93 : vector<64x64xi1> to vector<64x64xi32>
    %convert_element_type3A_95 = arith.sitofp %convert_element_type3A_94 : vector<64x64xi32> to vector<64x64xf32>
    %convert_element_type3A_96 = arith.truncf %convert_element_type3A_95 : vector<64x64xf32> to vector<64x64xbf16>
    %convert_element_type3A_97 = arith.sitofp %mul3A_90 : vector<1x64xi32> to vector<1x64xbf16>
    %dot_general3A_98 = arith.constant dense<0.000000e+00> : vector<1x64xf32>
    %dot_general3A_99 = tpu.matmul %convert_element_type3A_97, %convert_element_type3A_96, %dot_general3A_98 {dimension_numbers = #tpu.dot_dimension_numbers<[1], [0], [0], [1], [0, 0, 1, 1], [], []>, transpose_lhs_hint = false} : vector<1x64xbf16>, vector<64x64xbf16>, vector<1x64xf32> -> vector<1x64xf32>
    %add3A_100 = vector.broadcast %dot_general3A_99 : vector<1x64xf32> to vector<2048x64xf32>
    %add3A_101 = arith.addf %dot_general3A_51, %add3A_100 : vector<2048x64xf32>
    %jit3A_102 = arith.constant 0.000000e+00 : f32
    %broadcast_in_dim3A_103 = vector.broadcast %jit3A_102 : f32 to vector<2048x64xf32>
    %select_n3A_104 = arith.select %eq3A_36, %add3A_101, %broadcast_in_dim3A_103 : vector<2048x64xi1>, vector<2048x64xf32>
    %reduce_sum3A_105 = arith.constant dense<0.000000e+00> : vector<2048xf32>
    %reduce_sum3A_106 = vector.multi_reduction <add>, %select_n3A_104, %reduce_sum3A_105 [1] : vector<2048x64xf32> to vector<2048xf32>
    %convert_element_type3A_107 = arith.fptosi %reduce_sum3A_106 : vector<2048xf32> to vector<2048xi32>
    %add3A_108 = vector.broadcast %dot_general3A_99 : vector<1x64xf32> to vector<2048x64xf32>
    %add3A_109 = arith.addf %dot_general3A_51, %add3A_108 : vector<2048x64xf32>
    %jit3A_110 = arith.constant 0.000000e+00 : f32
    %broadcast_in_dim3A_111 = vector.broadcast %jit3A_110 : f32 to vector<2048x64xf32>
    %select_n3A_112 = arith.select %eq3A_39, %add3A_109, %broadcast_in_dim3A_111 : vector<2048x64xi1>, vector<2048x64xf32>
    %reduce_sum3A_113 = arith.constant dense<0.000000e+00> : vector<2048xf32>
    %reduce_sum3A_114 = vector.multi_reduction <add>, %select_n3A_112, %reduce_sum3A_113 [1] : vector<2048x64xf32> to vector<2048xf32>
    %convert_element_type3A_115 = arith.fptosi %reduce_sum3A_114 : vector<2048xf32> to vector<2048xi32>
    %stack3A_116 = vector.shape_cast %convert_element_type3A_107 : vector<2048xi32> to vector<2048x1xi32>
    %stack3A_117 = vector.shape_cast %convert_element_type3A_115 : vector<2048xi32> to vector<2048x1xi32>
    %stack3A_118 = tpu.concatenate %stack3A_116, %stack3A_117 in 1 : vector<2048x1xi32>, vector<2048x1xi32> -> vector<2048x2xi32>
    %swap3A_119 = arith.constant 0 : index
    %swap3A_120 = arith.constant 0 : index
    %swap3A_121 = vector.load %arg5[%swap3A_119, %swap3A_120] : memref<2048x2xi32, #tpu.memory_space<vmem>>, vector<2048x2xi32>
    tpu.vector_store %arg5[%swap3A_119, %swap3A_120], %stack3A_118 {strides = array<i32>} : memref<2048x2xi32, #tpu.memory_space<vmem>>, vector<2048x2xi32>,
    %convert_element_type3A_122 = arith.fptosi %dot_general3A_99 : vector<1x64xf32> to vector<1x64xi32>
    %add3A_123 = arith.addi %convert_element_type3A_122, %convert_element_type3A_55 : vector<1x64xi32>
    %swap3A_124 = arith.constant 0 : index
    %swap3A_125 = arith.constant 0 : index
    %swap3A_126 = vector.load %arg8[%swap3A_124, %swap3A_125] : memref<1x64xi32, #tpu.memory_space<vmem>>, vector<1x64xi32>
    tpu.vector_store %arg8[%swap3A_124, %swap3A_125], %add3A_123 {strides = array<i32>} : memref<1x64xi32, #tpu.memory_space<vmem>>, vector<1x64xi32>,
    %add3A_127 = arith.addi %convert_element_type3A_122, %mul3A_90 : vector<1x64xi32>
    %iota3A_128 = tpu.iota {dimensions = array<i32: 0>} : vector<96x64xi32>
    %mul3A_129 = arith.constant 128 : i32
    %mul3A_130 = vector.broadcast %mul3A_129 : i32 to vector<96x64xi32>
    %mul3A_131 = arith.muli %iota3A_128, %mul3A_130 : vector<96x64xi32>
    %le3A = vector.broadcast %add3A_127 : vector<1x64xi32> to vector<96x64xi32>
    %le3A_132 = arith.cmpi sle, %le3A, %mul3A_131 : vector<96x64xi32>
    %convert_element_type3A_133 = arith.extui %le3A_132 : vector<96x64xi1> to vector<96x64xi32>
    %reduce_sum3A_134 = arith.constant dense<0> : vector<96xi32>
    %reduce_sum3A_135 = vector.multi_reduction <add>, %convert_element_type3A_133, %reduce_sum3A_134 [1] : vector<96x64xi32> to vector<96xi32>
    %iota3A_136 = tpu.iota {dimensions = array<i32: 1>} : vector<1x64xi32>
    %gt3A = arith.constant 0 : i32
    %gt3A_137 = vector.broadcast %gt3A : i32 to vector<1x64xi32>
    %gt3A_138 = arith.cmpi sgt, %convert_element_type3A_55, %gt3A_137 : vector<1x64xi32>
    %jit3A_139 = arith.constant 0 : i32
    %broadcast_in_dim3A_140 = vector.broadcast %jit3A_139 : i32 to vector<1x64xi32>
    %select_n3A_141 = arith.select %gt3A_138, %iota3A_136, %broadcast_in_dim3A_140 : vector<1x64xi1>, vector<1x64xi32>
    %reduce_max3A_142 = vector.shape_cast %select_n3A_141 : vector<1x64xi32> to vector<1x1x64xi32>
    %reduce_max3A_143 = arith.constant dense<-2147483648> : vector<1xi32>
    %reduce_max3A_144 = vector.multi_reduction <maxsi>, %reduce_max3A_142, %reduce_max3A_143 [1, 2] : vector<1x1x64xi32> to vector<1xi32>
    %reduce_max3A_145 = vector.shape_cast %reduce_max3A_144 : vector<1xi32> to vector<1x1x1xi32>
    %reduce_max3A_146 = vector.extract %reduce_max3A_145[0, 0, 0] : i32 from vector<1x1x1xi32>
    %min3A = vector.broadcast %reduce_max3A_146 : i32 to vector<96xi32>
    %min3A_147 = arith.minsi %reduce_sum3A_135, %min3A : vector<96xi32>
    %broadcast_in_dim3A_148 = vector.shape_cast %min3A_147 : vector<96xi32> to vector<1x96xi32>
    %swap3A_149 = arith.constant 0 : index
    %swap3A_150 = arith.constant 0 : index
    %swap3A_151 = vector.load %arg6[%swap3A_149, %swap3A_150] : memref<1x96xi32, #tpu.memory_space<vmem>>, vector<1x96xi32>
    tpu.vector_store %arg6[%swap3A_149, %swap3A_150], %broadcast_in_dim3A_148 {strides = array<i32>} : memref<1x96xi32, #tpu.memory_space<vmem>>, vector<1x96xi32>,
    %reduce_sum3A_152 = vector.shape_cast %mul3A_90 : vector<1x64xi32> to vector<1x1x64xi32>
    %reduce_sum3A_153 = arith.constant dense<0> : vector<1xi32>
    %reduce_sum3A_154 = vector.multi_reduction <add>, %reduce_sum3A_152, %reduce_sum3A_153 [1, 2] : vector<1x1x64xi32> to vector<1xi32>
    %reduce_sum3A_155 = vector.shape_cast %reduce_sum3A_154 : vector<1xi32> to vector<1x1x1xi32>
    %reduce_sum3A_156 = vector.extract %reduce_sum3A_155[0, 0, 0] : i32 from vector<1x1x1xi32>
    %jit3A_157 = arith.constant 128 : i32
    %div3A_158 = arith.divsi %reduce_sum3A_156, %jit3A_157 : i32
    %sign3A_159 = arith.constant 0 : i32
    %sign3A_160 = arith.cmpi sgt, %reduce_sum3A_156, %sign3A_159 : i32
    %sign3A_161 = arith.extui %sign3A_160 : i1 to i32
    %sign3A_162 = arith.constant 0 : i32
    %sign3A_163 = arith.cmpi slt, %reduce_sum3A_156, %sign3A_162 : i32
    %sign3A_164 = arith.extui %sign3A_163 : i1 to i32
    %sign3A_165 = arith.subi %sign3A_161, %sign3A_164 : i32
    %sign3A_166 = arith.constant 0 : i32
    %sign3A_167 = arith.cmpi sgt, %jit3A_157, %sign3A_166 : i32
    %sign3A_168 = arith.extui %sign3A_167 : i1 to i32
    %sign3A_169 = arith.constant 0 : i32
    %sign3A_170 = arith.cmpi slt, %jit3A_157, %sign3A_169 : i32
    %sign3A_171 = arith.extui %sign3A_170 : i1 to i32
    %sign3A_172 = arith.subi %sign3A_168, %sign3A_171 : i32
    %ne3A_173 = arith.cmpi ne, %sign3A_165, %sign3A_172 : i32
    %rem3A_174 = arith.remsi %reduce_sum3A_156, %jit3A_157 : i32
    %ne3A_175 = arith.constant 0 : i32
    %ne3A_176 = arith.cmpi ne, %rem3A_174, %ne3A_175 : i32
    %and3A_177 = arith.andi %ne3A_173, %ne3A_176 : i1
    %sub3A_178 = arith.constant 1 : i32
    %sub3A_179 = arith.subi %div3A_158, %sub3A_178 : i32
    %select_n3A_180 = arith.select %and3A_177, %sub3A_179, %div3A_158 : i32
    %broadcast_in_dim3A_181 = vector.broadcast %select_n3A_180 : i32 to vector<1x8xi32>
    %swap3A_182 = arith.constant 0 : index
    %swap3A_183 = arith.constant 0 : index
    %swap3A_184 = vector.load %arg7[%swap3A_182, %swap3A_183] : memref<1x8xi32, #tpu.memory_space<vmem>>, vector<1x8xi32>
    tpu.vector_store %arg7[%swap3A_182, %swap3A_183], %broadcast_in_dim3A_181 {strides = array<i32>} : memref<1x8xi32, #tpu.memory_space<vmem>>, vector<1x8xi32>,
    return
  }
}

module attributes {stable_mosaic.version = 14 : i64} {
  func.func @_expert_gemm_kernel(%arg0: i32, %arg1: memref<1x96xi32, #tpu.memory_space<smem>>, %arg2: memref<1x8xi32, #tpu.memory_space<smem>>, %arg3: memref<1x64xi32, #tpu.memory_space<smem>>, %arg4: memref<128x768xf32, #tpu.memory_space<vmem>>, %arg5: memref<1x768x768xf32, #tpu.memory_space<vmem>>, %arg6: memref<1x1x768xf32, #tpu.memory_space<vmem>>, %arg7: memref<1x768x768xf32, #tpu.memory_space<vmem>>, %arg8: memref<1x1x768xf32, #tpu.memory_space<vmem>>, %arg9: memref<128x768xf32, #tpu.memory_space<vmem>>) attributes {dimension_semantics = [#tpu.dimension_semantics<arbitrary>], iteration_bounds = array<i64: 96>, scalar_prefetch = 3 : i64, scratch_operands = 0 : i64, tpu.core_type = #tpu.core_type<tc>, window_params = [{transform_indices = @transform_0, window_bounds = array<i64: 128, 768>}, {transform_indices = @transform_1, window_bounds = array<i64: 1, 768, 768>}, {transform_indices = @transform_2, window_bounds = array<i64: 1, 1, 768>}, {transform_indices = @transform_3, window_bounds = array<i64: 1, 768, 768>}, {transform_indices = @transform_4, window_bounds = array<i64: 1, 1, 768>}, {transform_indices = @transform_5, window_bounds = array<i64: 128, 768>}]} {
    %get3A = arith.constant 0 : index
    %get3A_0 = arith.constant 0 : index
    %get3A_1 = memref.load %arg2[%get3A, %get3A_0] : memref<1x8xi32, #tpu.memory_space<smem>>
    %lt3A = arith.cmpi slt, %arg0, %get3A_1 : i32
    %convert_element_type3A = arith.extui %lt3A : i1 to i32
    %cond3A = arith.constant 0 : i32
    %cond3A_2 = arith.cmpi ne, %convert_element_type3A, %cond3A : i32
    scf.if %cond3A_2 {
      %get3A_3 = arith.constant 0 : index
      %get3A_4 = arith.index_cast %arg0 : i32 to index
      %get3A_5 = memref.load %arg1[%get3A_3, %get3A_4] : memref<1x96xi32, #tpu.memory_space<smem>>
      %get3A_6 = arith.constant 0 : index
      %get3A_7 = arith.index_cast %get3A_5 : i32 to index
      %get3A_8 = memref.load %arg3[%get3A_6, %get3A_7] : memref<1x64xi32, #tpu.memory_space<smem>>
      %iota3A = tpu.iota {dimensions = array<i32: 0>} : vector<128x1xi32>
      %mul3A = arith.constant 128 : i32
      %mul3A_9 = arith.muli %arg0, %mul3A : i32
      %add3A = vector.broadcast %mul3A_9 : i32 to vector<128x1xi32>
      %add3A_10 = arith.addi %iota3A, %add3A : vector<128x1xi32>
      %lt3A_11 = vector.broadcast %get3A_8 : i32 to vector<128x1xi32>
      %lt3A_12 = arith.cmpi slt, %add3A_10, %lt3A_11 : vector<128x1xi32>
      %get3A_13 = arith.constant 0 : index
      %get3A_14 = arith.constant 0 : index
      %get3A_15 = vector.load %arg4[%get3A_13, %get3A_14] : memref<128x768xf32, #tpu.memory_space<vmem>>, vector<128x768xf32>
      %jit3A = arith.constant 0.000000e+00 : f32
      %broadcast_in_dim3A = vector.shape_cast %lt3A_12 : vector<128x1xi1> to vector<128x1xi1>
      %broadcast_in_dim3A_16 = vector.broadcast %broadcast_in_dim3A : vector<128x1xi1> to vector<128x768xi1>
      %broadcast_in_dim3A_17 = vector.broadcast %jit3A : f32 to vector<128x768xf32>
      %select_n3A = arith.select %broadcast_in_dim3A_16, %get3A_15, %broadcast_in_dim3A_17 : vector<128x768xi1>, vector<128x768xf32>
      %get3A_18 = arith.constant 0 : index
      %get3A_19 = arith.constant 0 : index
      %get3A_20 = arith.constant 0 : index
      %get3A_21 = vector.load %arg5[%get3A_18, %get3A_19, %get3A_20] : memref<1x768x768xf32, #tpu.memory_space<vmem>>, vector<1x768x768xf32>
      %get3A_22 = vector.shape_cast %get3A_21 : vector<1x768x768xf32> to vector<768x768xf32>
      %dot_general3A = arith.constant dense<0.000000e+00> : vector<128x768xf32>
      %dot_general3A_23 = tpu.matmul %select_n3A, %get3A_22, %dot_general3A {dimension_numbers = #tpu.dot_dimension_numbers<[1], [1], [0], [0], [0, 0, 1, 0], [], []>, transpose_lhs_hint = false} : vector<128x768xf32>, vector<768x768xf32>, vector<128x768xf32> -> vector<128x768xf32>
      %get3A_24 = arith.constant 0 : index
      %get3A_25 = arith.constant 0 : index
      %get3A_26 = arith.constant 0 : index
      %get3A_27 = vector.load %arg6[%get3A_24, %get3A_25, %get3A_26] : memref<1x1x768xf32, #tpu.memory_space<vmem>>, vector<1x1x768xf32>
      %get3A_28 = vector.shape_cast %get3A_27 : vector<1x1x768xf32> to vector<768xf32>
      %broadcast_in_dim3A_29 = vector.shape_cast %get3A_28 : vector<768xf32> to vector<1x768xf32>
      %add3A_30 = vector.broadcast %broadcast_in_dim3A_29 : vector<1x768xf32> to vector<128x768xf32>
      %add3A_31 = arith.addf %dot_general3A_23, %add3A_30 : vector<128x768xf32>
      %max3A = arith.constant 0.000000e+00 : f32
      %max3A_32 = vector.broadcast %max3A : f32 to vector<128x768xf32>
      %max3A_33 = arith.maximumf %add3A_31, %max3A_32 : vector<128x768xf32>
      %get3A_34 = arith.constant 0 : index
      %get3A_35 = arith.constant 0 : index
      %get3A_36 = arith.constant 0 : index
      %get3A_37 = vector.load %arg7[%get3A_34, %get3A_35, %get3A_36] : memref<1x768x768xf32, #tpu.memory_space<vmem>>, vector<1x768x768xf32>
      %get3A_38 = vector.shape_cast %get3A_37 : vector<1x768x768xf32> to vector<768x768xf32>
      %dot_general3A_39 = arith.constant dense<0.000000e+00> : vector<128x768xf32>
      %dot_general3A_40 = tpu.matmul %max3A_33, %get3A_38, %dot_general3A_39 {dimension_numbers = #tpu.dot_dimension_numbers<[1], [1], [0], [0], [0, 0, 1, 0], [], []>, transpose_lhs_hint = false} : vector<128x768xf32>, vector<768x768xf32>, vector<128x768xf32> -> vector<128x768xf32>
      %get3A_41 = arith.constant 0 : index
      %get3A_42 = arith.constant 0 : index
      %get3A_43 = arith.constant 0 : index
      %get3A_44 = vector.load %arg8[%get3A_41, %get3A_42, %get3A_43] : memref<1x1x768xf32, #tpu.memory_space<vmem>>, vector<1x1x768xf32>
      %get3A_45 = vector.shape_cast %get3A_44 : vector<1x1x768xf32> to vector<768xf32>
      %broadcast_in_dim3A_46 = vector.shape_cast %get3A_45 : vector<768xf32> to vector<1x768xf32>
      %add3A_47 = vector.broadcast %broadcast_in_dim3A_46 : vector<1x768xf32> to vector<128x768xf32>
      %add3A_48 = arith.addf %dot_general3A_40, %add3A_47 : vector<128x768xf32>
      %swap3A = arith.constant 0 : index
      %swap3A_49 = arith.constant 0 : index
      %swap3A_50 = vector.load %arg9[%swap3A, %swap3A_49] : memref<128x768xf32, #tpu.memory_space<vmem>>, vector<128x768xf32>
      tpu.vector_store %arg9[%swap3A, %swap3A_49], %add3A_48 {strides = array<i32>} : memref<128x768xf32, #tpu.memory_space<vmem>>, vector<128x768xf32>,
    } else {
    }
    return
  }
  func.func @transform_0(%arg0: i32, %arg1: memref<1x96xi32, #tpu.memory_space<smem>>, %arg2: memref<1x8xi32, #tpu.memory_space<smem>>, %arg3: memref<1x64xi32, #tpu.memory_space<smem>>) -> (i32, i32) {
    %get3A = arith.constant 0 : index
    %get3A_0 = arith.constant 0 : index
    %get3A_1 = memref.load %arg2[%get3A, %get3A_0] : memref<1x8xi32, #tpu.memory_space<smem>>
    %sub3A = arith.constant 1 : i32
    %sub3A_2 = arith.subi %get3A_1, %sub3A : i32
    %min3A = arith.minsi %arg0, %sub3A_2 : i32
    %c0_i32 = arith.constant 0 : i32
    %c0_i32_3 = arith.constant 0 : i32
    return %min3A, %c0_i32 : i32, i32
  }
  func.func @transform_1(%arg0: i32, %arg1: memref<1x96xi32, #tpu.memory_space<smem>>, %arg2: memref<1x8xi32, #tpu.memory_space<smem>>, %arg3: memref<1x64xi32, #tpu.memory_space<smem>>) -> (i32, i32, i32) {
    %get3A = arith.constant 0 : index
    %get3A_0 = arith.index_cast %arg0 : i32 to index
    %get3A_1 = memref.load %arg1[%get3A, %get3A_0] : memref<1x96xi32, #tpu.memory_space<smem>>
    %c0_i32 = arith.constant 0 : i32
    %c0_i32_2 = arith.constant 0 : i32
    %c0_i32_3 = arith.constant 0 : i32
    return %get3A_1, %c0_i32, %c0_i32_2 : i32, i32, i32
  }
  func.func @transform_2(%arg0: i32, %arg1: memref<1x96xi32, #tpu.memory_space<smem>>, %arg2: memref<1x8xi32, #tpu.memory_space<smem>>, %arg3: memref<1x64xi32, #tpu.memory_space<smem>>) -> (i32, i32, i32) {
    %get3A = arith.constant 0 : index
    %get3A_0 = arith.index_cast %arg0 : i32 to index
    %get3A_1 = memref.load %arg1[%get3A, %get3A_0] : memref<1x96xi32, #tpu.memory_space<smem>>
    %c0_i32 = arith.constant 0 : i32
    %c0_i32_2 = arith.constant 0 : i32
    %c0_i32_3 = arith.constant 0 : i32
    return %get3A_1, %c0_i32, %c0_i32_2 : i32, i32, i32
  }
  func.func @transform_3(%arg0: i32, %arg1: memref<1x96xi32, #tpu.memory_space<smem>>, %arg2: memref<1x8xi32, #tpu.memory_space<smem>>, %arg3: memref<1x64xi32, #tpu.memory_space<smem>>) -> (i32, i32, i32) {
    %get3A = arith.constant 0 : index
    %get3A_0 = arith.index_cast %arg0 : i32 to index
    %get3A_1 = memref.load %arg1[%get3A, %get3A_0] : memref<1x96xi32, #tpu.memory_space<smem>>
    %c0_i32 = arith.constant 0 : i32
    %c0_i32_2 = arith.constant 0 : i32
    %c0_i32_3 = arith.constant 0 : i32
    return %get3A_1, %c0_i32, %c0_i32_2 : i32, i32, i32
  }
  func.func @transform_4(%arg0: i32, %arg1: memref<1x96xi32, #tpu.memory_space<smem>>, %arg2: memref<1x8xi32, #tpu.memory_space<smem>>, %arg3: memref<1x64xi32, #tpu.memory_space<smem>>) -> (i32, i32, i32) {
    %get3A = arith.constant 0 : index
    %get3A_0 = arith.index_cast %arg0 : i32 to index
    %get3A_1 = memref.load %arg1[%get3A, %get3A_0] : memref<1x96xi32, #tpu.memory_space<smem>>
    %c0_i32 = arith.constant 0 : i32
    %c0_i32_2 = arith.constant 0 : i32
    %c0_i32_3 = arith.constant 0 : i32
    return %get3A_1, %c0_i32, %c0_i32_2 : i32, i32, i32
  }
  func.func @transform_5(%arg0: i32, %arg1: memref<1x96xi32, #tpu.memory_space<smem>>, %arg2: memref<1x8xi32, #tpu.memory_space<smem>>, %arg3: memref<1x64xi32, #tpu.memory_space<smem>>) -> (i32, i32) {
    %get3A = arith.constant 0 : index
    %get3A_0 = arith.constant 0 : index
    %get3A_1 = memref.load %arg2[%get3A, %get3A_0] : memref<1x8xi32, #tpu.memory_space<smem>>
    %sub3A = arith.constant 1 : i32
    %sub3A_2 = arith.subi %get3A_1, %sub3A : i32
    %min3A = arith.minsi %arg0, %sub3A_2 : i32
    %c0_i32 = arith.constant 0 : i32
    %c0_i32_3 = arith.constant 0 : i32
    return %min3A, %c0_i32 : i32, i32
  }
}

module attributes {stable_mosaic.version = 14 : i64} {
  func.func @_pair_add_kernel(%arg0: memref<2048x2x768xf32, #tpu.memory_space<vmem>>, %arg1: memref<2048x2xf32, #tpu.memory_space<vmem>>, %arg2: memref<2048x768xf32, #tpu.memory_space<vmem>>) attributes {dimension_semantics = [], scalar_prefetch = 0 : i64, scratch_operands = 0 : i64, tpu.core_type = #tpu.core_type<tc>} {
    %get3A = arith.constant 0 : index
    %get3A_0 = arith.constant 0 : index
    %get3A_1 = arith.constant 0 : index
    %get3A_2 = vector.load %arg0[%get3A, %get3A_0, %get3A_1] : memref<2048x2x768xf32, #tpu.memory_space<vmem>>, vector<2048x1x768xf32>
    %get3A_3 = vector.shape_cast %get3A_2 : vector<2048x1x768xf32> to vector<2048x768xf32>
    %get3A_4 = arith.constant 0 : index
    %get3A_5 = arith.constant 0 : index
    %get3A_6 = vector.load %arg1[%get3A_4, %get3A_5] : memref<2048x2xf32, #tpu.memory_space<vmem>>, vector<2048x1xf32>
    %mul3A = vector.broadcast %get3A_6 : vector<2048x1xf32> to vector<2048x768xf32>
    %mul3A_7 = arith.mulf %get3A_3, %mul3A : vector<2048x768xf32>
    %get3A_8 = arith.constant 0 : index
    %get3A_9 = arith.constant 1 : index
    %get3A_10 = arith.constant 0 : index
    %get3A_11 = vector.load %arg0[%get3A_8, %get3A_9, %get3A_10] : memref<2048x2x768xf32, #tpu.memory_space<vmem>>, vector<2048x1x768xf32>
    %get3A_12 = vector.shape_cast %get3A_11 : vector<2048x1x768xf32> to vector<2048x768xf32>
    %get3A_13 = arith.constant 0 : index
    %get3A_14 = arith.constant 1 : index
    %get3A_15 = vector.load %arg1[%get3A_13, %get3A_14] : memref<2048x2xf32, #tpu.memory_space<vmem>>, vector<2048x1xf32>
    %mul3A_16 = vector.broadcast %get3A_15 : vector<2048x1xf32> to vector<2048x768xf32>
    %mul3A_17 = arith.mulf %get3A_12, %mul3A_16 : vector<2048x768xf32>
    %add3A = arith.addf %mul3A_7, %mul3A_17 : vector<2048x768xf32>
    %swap3A = arith.constant 0 : index
    %swap3A_18 = arith.constant 0 : index
    %swap3A_19 = vector.load %arg2[%swap3A, %swap3A_18] : memref<2048x768xf32, #tpu.memory_space<vmem>>, vector<2048x768xf32>
    tpu.vector_store %arg2[%swap3A, %swap3A_18], %add3A {strides = array<i32>} : memref<2048x768xf32, #tpu.memory_space<vmem>>, vector<2048x768xf32>,
    return
  }
}

</mosaic_0001>

<sc_bundles>
// kernel: kernel.10.cloned.1.call-start
scs
__scs_entry_jumppad:
0x0: {  	(pc) =	sbr.rel $0x88, $3  }
0x1: {  	(tag) =	ssettag $0x0;
	lr =	simm.s32 $0x1  }
0x2: {  	[smem:$0x3F9B] =	sst lr;
	_ =	strace $0xD0000000  }
0x3: {  	_ = 	snop  }
0x4: {  	_ = 	snop  }
0x5: {  	_ = 	snop  }
0x6: {  	_ = 	snop  }
0x7: {  	_ = 	snop  }
__scs_overlays_trampoline_lowered:
0x8: {  	[smem:$0x3FAA] =	sst s0  }
0x9: {  	[smem:$0x3FAB] =	sst s1  }
0xa: {  	[smem:$0x3FAC] =	sst s2  }
0xb: {  	[smem:$0x3FAD] =	sst s3  }
0xc: {  	[smem:$0x3FAE] =	sst s4  }
0xd: {  	[smem:$0x3FAF] =	sst s5  }
0xe: {  	[smem:$0x3FB0] =	sst s6  }
0xf: {  	[smem:$0x3FB1] =	sst s7  }
0x10: {  	[smem:$0x3FB2] =	sst s8  }
0x11: {  	[smem:$0x3FB3] =	sst s9;
	s0 =	simm.s32 @!p0 $0x0  }
0x12: {  	s1 =	sld [smem:$0x3F99];
	s0 =	simm.s32 @p0 $0x1  }
0x13: {  	[smem:$0x3FB4] =	sst s0;
	s0 =	simm.s32 @!p1 $0x0  }
0x14: {  	s2 =	sld [smem:$0x3F98];
	s0 =	simm.s32 @p1 $0x1  }
0x15: {  	[smem:$0x3FB5] =	sst s0;
	s0 =	simm.s32 @!p2 $0x0  }
0x16: {  	s3 =	sld [smem:$0x3FDB];
	s0 =	simm.s32 @p2 $0x1  }
0x17: {  	s4 =	simm.s32 $0x1BF5;
	[smem:$0x3FB7] =	sst s0  }
0x18: {  	s0 =	sld [smem:$0x3F9A];
	_ =	swait.ge [sflag:s4], $0x0  }
0x19: {  	s7 =	sld [smem:$0x3F9B]  }
0x1a: {  	s8 =	sadd.s32 $0xFFFFE003, lr  }
0x1b: {  	s9 =	sadd.s32 $0xFFFFFEF7, lr;
	s5 =	simm.s32 $0xFFFFFFFF;
	p2 =	slt.u32 s8, $0xFFFFF086  }
0x1c: {  	p1 =	slt.u32 s9, $0xF7A;
	s5 =	simm.s32 @!p2 $0x0  }
0x1d: {  	s5 =	simm.s32 @p1 $0x1;
	p0 =	seq.s32 s7, s2  }
0x1e: {  	s7 =	smul.u32 @!p0 $0xF7A, s2;
	p2 =	seq.s32 @!p0 s5, $0x0  }
0x1f: {  	s9 =	smul.u32 $0xF7A, s1;
	s8 =	simm.s32 @!p0 $0x1BF5;
	p2 =	por !p2, p0  }
0x20: {  	[sflag:s8] =	ssyncset.s32 @!p0 $0xFFFFF086;
	s6 =	sadd.s32 @!p0 s3, s7;
	s7 =	simm.s32 @!p0 $0x108  }
0x21: {  	s3 =	sadd.s32 s3, s9;
	s6 =	sadd.s32 @!p0 $0x88, s6;
	s7 =	simm.s32 @p2 $0x1082  }
0x22: {  	[simem:s7], [sflag:s8] =	dma.local @!p0 [hbm:s6], $0xF7A  }
0x23: {  	s9 =	sor.u32 $0xD0000000, s2;
	s6 =	simm.s32 $0x108;
	_ =	swait.ge @!p0 [sflag:s8], $0x0  }
0x24: {  	s3 =	sadd.s32 $0x88, s3;
	s6 =	simm.s32 @!p1 $0x1082;
	[sflag:s4] =	ssyncset.s32 $0xFFFFF086  }
0x25: {  	[simem:s6], [sflag:s4] =	dma.local [hbm:s3], $0xF7A  }
0x26: {  	[smem:$0x3F9B] =	sst s1;
	(tag) =	ssettag s2;
	_ =	strace s9  }
0x27: {  	s1 =	sld [smem:$0x3FAB]  }
0x28: {  	s2 =	sld [smem:$0x3FAC]  }
0x29: {  	s4 =	sld [smem:$0x3FAE]  }
0x2a: {  	p0 =	seq.s32 s5, $0x0;
	s5 =	sld [smem:$0x3FAF]  }
0x2b: {  	s6 =	sld [smem:$0x3FB0]  }
0x2c: {  	s7 =	sld [smem:$0x3FB1]  }
0x2d: {  	s3 =	simm.s32 $0x108;
	s8 =	sld [smem:$0x3FB2]  }
0x2e: {  	s3 =	simm.s32 @!p0 $0x1082;
	s9 =	sld [smem:$0x3FB3]  }
0x2f: {  	lr =	sadd.s32 s0, s3;
	s0 =	sld [smem:$0x3FAA]  }
0x30: {  	s3 =	sld [smem:$0x3FAD]  }
0x31: {  	[smem:$0x3FB6] =	sst s10  }
0x32: {  	s10 =	sld [smem:$0x3FB4];
	_ =	sdelay $0x3  }
0x33: {  	p0 =	seq.s32 s10, $0x1;
	s10 =	sld [smem:$0x3FB6];
	_ =	sdelay $0x3  }
0x34: {  	[smem:$0x3FB6] =	sst s10  }
0x35: {  	s10 =	sld [smem:$0x3FB5];
	_ =	sdelay $0x3  }
0x36: {  	p1 =	seq.s32 s10, $0x1;
	s10 =	sld [smem:$0x3FB6];
	_ =	sdelay $0x3  }
0x37: {  	[smem:$0x3FB6] =	sst s10  }
0x38: {  	s10 =	sld [smem:$0x3FB7]  }
0x39: {  	_ = 	snop;
	(pc) =	sbr.ind lr, $3  }
0x3a: {  	_ = 	snop  }
0x3b: {  	_ = 	snop  }
0x3c: {  	p2 =	seq.s32 s10, $0x1;
	s10 =	sld [smem:$0x3FB6]  }
0x3d: {  	_ =	shalt  }
0x3e: {  	_ =	shalt  }
0x3f: {  	_ =	shalt  }
0x40: {  	_ =	shalt  }
0x41: {  	_ =	shalt  }
0x42: {  	_ =	shalt  }
0x43: {  	_ =	shalt  }
0x44: {  	_ =	shalt  }
0x45: {  	_ =	shalt  }
0x46: {  	_ =	shalt  }
0x47: {  	_ =	shalt  }
0x48: {  	_ =	shalt  }
0x49: {  	_ =	shalt  }
0x4a: {  	_ =	shalt  }
0x4b: {  	_ =	shalt  }
0x4c: {  	_ =	shalt  }
0x4d: {  	_ =	shalt  }
0x4e: {  	_ =	shalt  }
0x4f: {  	_ =	shalt  }
0x50: {  	_ =	shalt  }
0x51: {  	_ =	shalt  }
0x52: {  	_ =	shalt  }
0x53: {  	_ =	shalt  }
0x54: {  	_ =	shalt  }
0x55: {  	_ =	shalt  }
0x56: {  	_ =	shalt  }
0x57: {  	_ =	shalt  }
0x58: {  	_ =	shalt  }
0x59: {  	_ =	shalt  }
0x5a: {  	_ =	shalt  }
0x5b: {  	_ =	shalt  }
0x5c: {  	_ =	shalt  }
0x5d: {  	_ =	shalt  }
0x5e: {  	_ =	shalt  }
0x5f: {  	_ =	shalt  }
0x60: {  	_ =	shalt  }
0x61: {  	_ =	shalt  }
0x62: {  	_ =	shalt  }
0x63: {  	_ =	shalt  }
0x64: {  	_ =	shalt  }
0x65: {  	_ =	shalt  }
0x66: {  	_ =	shalt  }
0x67: {  	_ =	shalt  }
0x68: {  	_ =	shalt  }
0x69: {  	_ =	shalt  }
0x6a: {  	_ =	shalt  }
0x6b: {  	_ =	shalt  }
0x6c: {  	_ =	shalt  }
0x6d: {  	_ =	shalt  }
0x6e: {  	_ =	shalt  }
0x6f: {  	_ =	shalt  }
0x70: {  	_ =	shalt  }
0x71: {  	_ =	shalt  }
0x72: {  	_ =	shalt  }
0x73: {  	_ =	shalt  }
0x74: {  	_ =	shalt  }
0x75: {  	_ =	shalt  }
0x76: {  	_ =	shalt  }
0x77: {  	_ =	shalt  }
0x78: {  	_ =	shalt  }
0x79: {  	_ =	shalt  }
0x7a: {  	_ =	shalt  }
0x7b: {  	_ =	shalt  }
0x7c: {  	_ =	shalt  }
0x7d: {  	_ =	shalt  }
0x7e: {  	_ =	shalt  }
0x7f: {  	_ =	shalt  }
0x80: {  	_ =	shalt  }
0x81: {  	_ =	shalt  }
0x82: {  	_ =	shalt  }
0x83: {  	_ =	shalt  }
0x84: {  	_ =	shalt  }
0x85: {  	_ =	shalt  }
0x86: {  	_ =	shalt  }
0x87: {  	_ =	shalt  }
.Lfunc_end0:
.L_simem_size_0:
called_computation.1_lowered:
.L_overlay_start_0:
0x88: {  	s2 =	sld [smem:$0x3FD9]  }
0x89: {  	s3 =	sld [smem:$0x3FFE];
	_ =	sdelay $0x1  }
0x8a: {  	s1 =	srdreg.scid  }
0x8b: {  	s0 =	sand.u32 $0x1, s1  }
0x8c: {  	s16 =	sshll.u32 s0, $0xA;
	s2 =	sadd.s32 s3, s2  }
0x8d: {  	s2 =	sadd.s32 s2, s16  }
0x8e: {  	[smem:$0x3FC2] =	sst s2  }
0x8f: {  	_ = 	snop  }
0x90: {  	(tm) =	ssettm $0x1  }
0x91: {  	s17 =	sld [smem:$0x3FFB];
	_ =	sdelay $0x3  }
0x92: {  	_ =	strace s17  }
0x93: {  	s2 =	sld [smem:$0x3FFC];
	_ =	sdelay $0x3  }
0x94: {  	_ =	strace s2  }
0x95: {  	s2 =	sld [smem:$0x3FFD];
	_ =	sdelay $0x3  }
0x96: {  	_ =	strace s2  }
0x97: {  	_ =	strace $0x8FFFFFFF  }
0x98: {  	s18 =	sld [smem:$0x3FDB];
	_ =	sdelay $0x1  }
0x99: {  	s19 =	simm.s32 $_scs_section_size  }
0x9a: {  	s4 =	simm.s32 $_size__tile_overlayer_lowered;
	s5 =	simm.s32 $_tile_overlayer_lowered  }
0x9b: {  	s22 =	simm.s32 $0x1BFF;
	s21 =	sshll.u32 s5, $0x1;
	s2 =	sadd.s32 s19, s18  }
0x9c: {  	s6 =	simm.s32 $0x0;
	s20 =	sshll.u32 s4, $0x1;
	s4 =	sadd.s32 s21, s2  }
0x9d: {  	[timem:s6], [sflag:s22] =	dma.local [hbm:s4], s20  }
0x9e: {  	_ =	swait.ge [sflag:s22], s20  }
0x9f: {  	s3 =	ssub.s32 $0x0, s20;
	[sflag:s22] =	ssyncset.done $0x0  }
0xa0: {  	[sflag:s22] =	ssyncadd.s32 s3;
	_ =	sdelay $0x1  }
0xa1: {  	s23 =	simm.s32 $0x1B8B  }
0xa2: {  	_ =	swait.ge [sflag:s23], $0x1  }
0xa3: {  	[sflag:s23] =	ssyncset.done $0x0  }
0xa4: {  	s25 =	simm.s32 $0x1B8E;
	s24 =	sld [smem:$0x3FFE];
	[sflag:s23] =	ssyncadd.s32 $0xFFFFFFFF  }
0xa5: {  	s26 =	simm.s32 $execute0_lowered;
	[smem:$0x3FD2] =	sst s25  }
0xa6: {  	s4 =	sshll.u32 s26, $0x1;
	_ =	strace $0x80000049;
	[dreg:$0x1] =	wrdreg $0xFFFFFFFF  }
0xa7: {  	s28 =	simm.s32 $_size_execute0_lowered;
	s2 =	sadd.s32 s2, s4;
	[dreg:$0x0] =	wrdreg $0x0  }
0xa8: {  	s4 =	sshll.u32 s28, $0x1;
	[dreg:$0x2] =	wrdreg s2  }
0xa9: {  	[dreg:$0x3] =	wrdreg s4  }
0xaa: {  	[dreg:$0x4] =	wrdreg $0xC0  }
0xab: {  	_ =	task [dreg:s6], $0x5FFFF  }
0xac: {  	[dreg:$0x1] =	wrdreg $0xFFFFFFFF  }
0xad: {  	[dreg:$0x0] =	wrdreg $0x60  }
0xae: {  	[dreg:$0x2] =	wrdreg s24  }
0xaf: {  	[dreg:$0x3] =	wrdreg $0x9  }
0xb0: {  	_ =	task.clear_ibuf [dreg:s6], $0x4FFFF;
	_ =	strace $0x90000049  }
0xb1: {  	s29 =	simm.s32 $0x9;
	_ =	strace $0x8000004B  }
0xb2: {  	_ =	swait.ge [sflag:s29], $0x1  }
0xb3: {  	[sflag:s29] =	ssyncadd.s32 $0xFFFFFFFF  }
0xb4: {  	_ =	strace $0x9000004B  }
0xb5: {  	_ =	sfence  }
0xb6: {  	s30 =	sld [smem:$0x0];
	_ =	sdelay $0x2  }
0xb7: {  	s31 =	sshll.u32 s1, $0xD;
	s1 =	sshrl.u32 s1, $0x2  }
0xb8: {  	s3 =	sand.u32 $0x4000, s31;
	s1 =	sadd.s32 s1, s30  }
0xb9: {  	s0 =	sor.u32 s3, s0;
	s1 =	sshll.u32 s1, $0x11  }
0xba: {  	s0 =	sor.u32 s1, s0  }
0xbb: {  	s0 =	sadd.s32 $0x8F2B, s0  }
0xbc: {  	[sflag:s0] =	ssyncadd.remote.s32 $0x1  }
0xbd: {  	_ =	sfence.sel $0xFFFF  }
0xbe: {  	[dreg:$0x0] =	wrdreg $0xFFFFFFFF;
	(pc) =	sbr.abs _section_cstart, $3  }
0xbf: {  	[dreg:$0x1] =	wrdreg $0xFFFFFFFF  }
0xc0: {  	_ =	task.clear_ibuf [dreg:s6], $0x2FFFF;
	_ =	strace $0x9FFFFFFF  }
0xc1: {  	(tm) =	ssettm $0x7FFFFFFF  }
tec
execute0_lowered:
.L_overlay_start_1:
0x0: {  	(tag) =	ssettag $0x1  }
0x1: {  	s1 =	srdreg.scid;
	s0 =	stileid.u32  }
0x2: {  	s6 =	rddreg [dreg:$0x0];
	s2 =	simm.s32 $0x0;
	s10 =	simm.s32 $0x80  }
0x3: {  	s11 =	simm.s32 $0x880;
	s12 =	simm.s32 $0x1080;
	s13 =	simm.s32 $0x1880  }
0x4: {  	s14 =	simm.s32 $0x2080;
	s15 =	simm.s32 $0x2880;
	s16 =	simm.s32 $0x3080  }
0x5: {  	s17 =	simm.s32 $0x3880;
	s18 =	simm.s32 $0x4080;
	s19 =	simm.s32 $0x4880  }
0x6: {  	s20 =	simm.s32 $0x5080;
	s21 =	simm.s32 $0x5880;
	s3 =	sand.u32 $0x1, s1  }
0x7: {  	s5 =	sshll.u32 s0, $0x7;
	s1 =	rddreg [dreg:$0x1];
	s4 =	sshll.u32 s3, $0xB  }
0x8: {  	s22 =	simm.s32 $0x0;
	[smem:$0x7FF] =	sst s2;
	s4 =	sor.u32 s5, s4  }
0x9: {  	_ =	strace $0x8000004A;
	s7 =	ssub.s32 $0x2, s3;
	s4 =	sshrl.u32 s4, $0x3  }
0xa: {  	s3 =	sadd.s32 $0x132000, s6;
	s8 =	sshrl.u32 s7, $0x1;
	s31 =	smul.u32 $0x300, s4  }
0xb: {  	v2 =	vlaneseq.u32;
	s5 =	sadd.s32 $0x132100, s6;
	s7 =	ssub.s32 s7, s8;
	s4 =	sadd.s32 s4, s6  }
0xc: {  	vm0 =	vmmov $0xffff;
	v1 =	vshrl.u32 v2, $0x3;
	s7 =	smax.u32 s7, $0x1;
	s4 =	sadd.s32 $0x11E00, s4;
	s9 =	sadd.s32 s31, s6  }
0xd: {  	v0 =	vand.u32 $0x7, v2;
	v2 =	vor.u32 $0x8, v2;
	v1 =	vmul.u32 $0x8, v1;
	s6 =	sadd.s32 $0x132200, s6;
	s8 =	sadd.s32 $0x12000, s9;
	s9 =	simm.s32 $0x1  }
.LBB2_1:
0xe: {  	[tilespmem:s2], [sflag:$0x1] =	stream.linear.gather [hbm4b:s4+s2], $0x80, $0x38;
	[tilespmem:$0x6080] =	vst v63  }
0xf: {  	_ =	swait.ge [sflag:s9], $0x80  }
0x10: {  	[sflag:s9] =	ssyncset.done $0x0  }
0x11: {  	s23 =	smov.u32 s8;
	s24 =	simm.s32 $0x0;
	[sflag:s9] =	ssyncadd.s32 $0xFFFFFF80  }
.LBB2_2:
0x12: {  	s25 =	sshra.s32 s24, $0x2  }
0x13: {  	v3 =	vld [tilespmem:s25+$0x0];
	_ =	sdelay $0x4  }
0x14: {  	v4 =	vshrl.u32 v3, $0x3  }
0x15: {  	v4 =	vmul.u32 $0x30, v4  }
0x16: {  	v3 =	vand.u32 $0x7, v3  }
0x17: {  	v3 =	vor.u32 v3, v4  }
0x18: {  	v4 =	vperm.xlane v3, v0;
	_ =	sdelay $0x1  }
0x19: {  	v4 =	vadd.s32 v1, v4;
	_ =	sdelay $0x3  }
0x1a: {  	v3 =	vperm.xlane v3, v2  }
0x1b: {  	[tilespmem:s10], [sflag:$0x1] =	stream.indirect_vreg.gather [hbm4b:s3+s2], $0x80, v4, vm0, $0xb8;
	[tilespmem:$0x6080] =	vst v63  }
0x1c: {  	v3 =	vadd.s32 v1, v3  }
0x1d: {  	[tilespmem:s11], [sflag:$0x1] =	stream.indirect_vreg.gather [hbm4b:s5+s2], $0x80, v4, vm0, $0xb8;
	[tilespmem:$0x6080] =	vst v63  }
0x1e: {  	_ = 	snop  }
0x1f: {  	[tilespmem:s12], [sflag:$0x1] =	stream.indirect_vreg.gather [hbm4b:s6+s2], $0x80, v4, vm0, $0xb8;
	[tilespmem:$0x6080] =	vst v63  }
0x20: {  	_ = 	snop  }
0x21: {  	[tilespmem:s13], [sflag:$0x1] =	stream.indirect_vreg.gather [hbm4b:s3+s2], $0x80, v3, vm0, $0xb8;
	[tilespmem:$0x6080] =	vst v63  }
0x22: {  	_ = 	snop  }
0x23: {  	[tilespmem:s14], [sflag:$0x1] =	stream.indirect_vreg.gather [hbm4b:s5+s2], $0x80, v3, vm0, $0xb8;
	[tilespmem:$0x6080] =	vst v63  }
0x24: {  	_ = 	snop  }
0x25: {  	[tilespmem:s15], [sflag:$0x1] =	stream.indirect_vreg.gather [hbm4b:s6+s2], $0x80, v3, vm0, $0xb8;
	[tilespmem:$0x6080] =	vst v63  }
0x26: {  	v3 =	vld [tilespmem:s25+$0x10];
	_ =	sdelay $0x4  }
0x27: {  	v63 =	vshrl.u32 v3, $0x3  }
0x28: {  	v4 =	vmul.u32 $0x30, v63  }
0x29: {  	v3 =	vand.u32 $0x7, v3  }
0x2a: {  	v3 =	vor.u32 v3, v4  }
0x2b: {  	v4 =	vperm.xlane v3, v0;
	_ =	sdelay $0x1  }
0x2c: {  	v4 =	vadd.s32 v1, v4;
	_ =	sdelay $0x3  }
0x2d: {  	v3 =	vperm.xlane v3, v2  }
0x2e: {  	[tilespmem:s16], [sflag:$0x1] =	stream.indirect_vreg.gather [hbm4b:s3+s2], $0x80, v4, vm0, $0xb8;
	[tilespmem:$0x6080] =	vst v63  }
0x2f: {  	v3 =	vadd.s32 v1, v3  }
0x30: {  	[tilespmem:s17], [sflag:$0x1] =	stream.indirect_vreg.gather [hbm4b:s5+s2], $0x80, v4, vm0, $0xb8;
	[tilespmem:$0x6080] =	vst v63  }
0x31: {  	_ = 	snop  }
0x32: {  	[tilespmem:s18], [sflag:$0x1] =	stream.indirect_vreg.gather [hbm4b:s6+s2], $0x80, v4, vm0, $0xb8;
	[tilespmem:$0x6080] =	vst v63  }
0x33: {  	_ = 	snop  }
0x34: {  	[tilespmem:s19], [sflag:$0x1] =	stream.indirect_vreg.gather [hbm4b:s3+s2], $0x80, v3, vm0, $0xb8;
	[tilespmem:$0x6080] =	vst v63  }
0x35: {  	_ = 	snop  }
0x36: {  	[tilespmem:s20], [sflag:$0x1] =	stream.indirect_vreg.gather [hbm4b:s5+s2], $0x80, v3, vm0, $0xb8;
	[tilespmem:$0x6080] =	vst v63  }
0x37: {  	_ = 	snop  }
0x38: {  	[tilespmem:s21], [sflag:$0x1] =	stream.indirect_vreg.gather [hbm4b:s6+s2], $0x80, v3, vm0, $0xb8;
	[tilespmem:$0x6080] =	vst v63  }
0x39: {  	_ =	swait.ge [sflag:s9], $0x6000  }
0x3a: {  	p0 =	sne.s32 s24, $0x180;
	[sflag:s9] =	ssyncset.done $0x0  }
.Ltmp0:
0x3b: {  	[sflag:s9] =	ssyncadd.s32 $0xFFFFA000;
	(pc) =	sbr.rel @p0 .LBB2_2-.Ltmp0, $4  }
0x3c: {  	[hbm4b:s23+s2] =	stream.linear.scatter [tilespmem:s10], [sflag:$0x1], $0x6000, $0x38;
	[tilespmem:$0x6080] =	vst v63  }
0x3d: {  	_ =	swait.ge [sflag:s9], $0x6000  }
0x3e: {  	[sflag:s9] =	ssyncset.done $0x0  }
0x3f: {  	s24 =	sadd.s32 $0x80, s24;
	s23 =	sadd.s32 $0xC00, s23;
	[sflag:s9] =	ssyncadd.s32 $0xFFFFA000  }
0x40: {  	s22 =	sadd.s32 $0x1, s22  }
0x41: {  	p0 =	sne.s32 s22, s7  }
.Ltmp1:
0x42: {  	_ = 	snop;
	(pc) =	sbr.rel @p0 .LBB2_1-.Ltmp1, $1  }
0x43: {  	_ =	sdelay $0x3  }
0x44: {  	_ =	sfence.sel $0x180000  }
0x45: {  	[bflag:$0x0] =	sbarrier.arrive $0xFFFF  }
0x46: {  	p0 =	sne.s32 s0, $0x0;
	_ =	strace $0x9000004A  }
0x47: {  	s0 =	sadd.s32 @!p0 $0x100000, s1;
	[bflag:$0x2] =	sbarrier.arrive $0xFFFF  }
0x48: {  	[sflag:s0] =	ssyncadd.tile.s32 @!p0 $0x1;
	_ =	shalt  }
.Lfunc_end2:
_tile_overlayer_lowered:
.L_overlay_start_2:
0x49: {  	(tag) =	ssettag $0x2  }
0x4a: {  	s0 =	rddreg [dreg:$0x0];
	s2 =	stileid.u32  }
0x4b: {  	s1 =	rddreg [dreg:$0x1];
	p0 =	sne.s32 s2, $0x0  }
0x4c: {  	s3 =	rddreg [dreg:$0x2];
	[bflag:$0x3] =	sbarrier.arrive $0xFFFF;
	s2 =	simm.s32 @!p0 $0x1C01  }
0x4d: {  	[timem:s3], [sflag:s2] =	dma.local @!p0 [hbm:s0], s1  }
0x4e: {  	s0 =	simm.s32 @!p0 $0x1  }
0x4f: {  	_ =	swait.ge @!p0 [sflag:s0], s1  }
0x50: {  	s1 =	ssub.s32 @!p0 $0x0, s1;
	[sflag:s0] =	ssyncset.done @!p0 $0x0  }
0x51: {  	[sflag:s0] =	ssyncadd.s32 @!p0 s1  }
0x52: {  	[bflag:$0x3] =	sbarrier.arrive $0xFFFF  }
0x53: {  	_ =	shalt  }

// kernel: kernel.7.cloned.1.call-start
scs
__scs_entry_jumppad:
0x0: {  	(pc) =	sbr.rel $0x88, $3  }
0x1: {  	(tag) =	ssettag $0x0;
	lr =	simm.s32 $0x1  }
0x2: {  	[smem:$0x3F9B] =	sst lr;
	_ =	strace $0xD0000000  }
0x3: {  	_ = 	snop  }
0x4: {  	_ = 	snop  }
0x5: {  	_ = 	snop  }
0x6: {  	_ = 	snop  }
0x7: {  	_ = 	snop  }
__scs_overlays_trampoline_lowered:
0x8: {  	[smem:$0x3FAA] =	sst s0  }
0x9: {  	[smem:$0x3FAB] =	sst s1  }
0xa: {  	[smem:$0x3FAC] =	sst s2  }
0xb: {  	[smem:$0x3FAD] =	sst s3  }
0xc: {  	[smem:$0x3FAE] =	sst s4  }
0xd: {  	[smem:$0x3FAF] =	sst s5  }
0xe: {  	[smem:$0x3FB0] =	sst s6  }
0xf: {  	[smem:$0x3FB1] =	sst s7  }
0x10: {  	[smem:$0x3FB2] =	sst s8  }
0x11: {  	[smem:$0x3FB3] =	sst s9;
	s0 =	simm.s32 @!p0 $0x0  }
0x12: {  	s1 =	sld [smem:$0x3F99];
	s0 =	simm.s32 @p0 $0x1  }
0x13: {  	[smem:$0x3FB4] =	sst s0;
	s0 =	simm.s32 @!p1 $0x0  }
0x14: {  	s2 =	sld [smem:$0x3F98];
	s0 =	simm.s32 @p1 $0x1  }
0x15: {  	[smem:$0x3FB5] =	sst s0;
	s0 =	simm.s32 @!p2 $0x0  }
0x16: {  	s3 =	sld [smem:$0x3FDB];
	s0 =	simm.s32 @p2 $0x1  }
0x17: {  	s4 =	simm.s32 $0x1BF5;
	[smem:$0x3FB7] =	sst s0  }
0x18: {  	s0 =	sld [smem:$0x3F9A];
	_ =	swait.ge [sflag:s4], $0x0  }
0x19: {  	s7 =	sld [smem:$0x3F9B]  }
0x1a: {  	s8 =	sadd.s32 $0xFFFFE003, lr  }
0x1b: {  	s9 =	sadd.s32 $0xFFFFFEF7, lr;
	s5 =	simm.s32 $0xFFFFFFFF;
	p2 =	slt.u32 s8, $0xFFFFF086  }
0x1c: {  	p1 =	slt.u32 s9, $0xF7A;
	s5 =	simm.s32 @!p2 $0x0  }
0x1d: {  	s5 =	simm.s32 @p1 $0x1;
	p0 =	seq.s32 s7, s2  }
0x1e: {  	s7 =	smul.u32 @!p0 $0xF7A, s2;
	p2 =	seq.s32 @!p0 s5, $0x0  }
0x1f: {  	s9 =	smul.u32 $0xF7A, s1;
	s8 =	simm.s32 @!p0 $0x1BF5;
	p2 =	por !p2, p0  }
0x20: {  	[sflag:s8] =	ssyncset.s32 @!p0 $0xFFFFF086;
	s6 =	sadd.s32 @!p0 s3, s7;
	s7 =	simm.s32 @!p0 $0x108  }
0x21: {  	s3 =	sadd.s32 s3, s9;
	s6 =	sadd.s32 @!p0 $0x88, s6;
	s7 =	simm.s32 @p2 $0x1082  }
0x22: {  	[simem:s7], [sflag:s8] =	dma.local @!p0 [hbm:s6], $0xF7A  }
0x23: {  	s9 =	sor.u32 $0xD0000000, s2;
	s6 =	simm.s32 $0x108;
	_ =	swait.ge @!p0 [sflag:s8], $0x0  }
0x24: {  	s3 =	sadd.s32 $0x88, s3;
	s6 =	simm.s32 @!p1 $0x1082;
	[sflag:s4] =	ssyncset.s32 $0xFFFFF086  }
0x25: {  	[simem:s6], [sflag:s4] =	dma.local [hbm:s3], $0xF7A  }
0x26: {  	[smem:$0x3F9B] =	sst s1;
	(tag) =	ssettag s2;
	_ =	strace s9  }
0x27: {  	s1 =	sld [smem:$0x3FAB]  }
0x28: {  	s2 =	sld [smem:$0x3FAC]  }
0x29: {  	s4 =	sld [smem:$0x3FAE]  }
0x2a: {  	p0 =	seq.s32 s5, $0x0;
	s5 =	sld [smem:$0x3FAF]  }
0x2b: {  	s6 =	sld [smem:$0x3FB0]  }
0x2c: {  	s7 =	sld [smem:$0x3FB1]  }
0x2d: {  	s3 =	simm.s32 $0x108;
	s8 =	sld [smem:$0x3FB2]  }
0x2e: {  	s3 =	simm.s32 @!p0 $0x1082;
	s9 =	sld [smem:$0x3FB3]  }
0x2f: {  	lr =	sadd.s32 s0, s3;
	s0 =	sld [smem:$0x3FAA]  }
0x30: {  	s3 =	sld [smem:$0x3FAD]  }
0x31: {  	[smem:$0x3FB6] =	sst s10  }
0x32: {  	s10 =	sld [smem:$0x3FB4];
	_ =	sdelay $0x3  }
0x33: {  	p0 =	seq.s32 s10, $0x1;
	s10 =	sld [smem:$0x3FB6];
	_ =	sdelay $0x3  }
0x34: {  	[smem:$0x3FB6] =	sst s10  }
0x35: {  	s10 =	sld [smem:$0x3FB5];
	_ =	sdelay $0x3  }
0x36: {  	p1 =	seq.s32 s10, $0x1;
	s10 =	sld [smem:$0x3FB6];
	_ =	sdelay $0x3  }
0x37: {  	[smem:$0x3FB6] =	sst s10  }
0x38: {  	s10 =	sld [smem:$0x3FB7]  }
0x39: {  	_ = 	snop;
	(pc) =	sbr.ind lr, $3  }
0x3a: {  	_ = 	snop  }
0x3b: {  	_ = 	snop  }
0x3c: {  	p2 =	seq.s32 s10, $0x1;
	s10 =	sld [smem:$0x3FB6]  }
0x3d: {  	_ =	shalt  }
0x3e: {  	_ =	shalt  }
0x3f: {  	_ =	shalt  }
0x40: {  	_ =	shalt  }
0x41: {  	_ =	shalt  }
0x42: {  	_ =	shalt  }
0x43: {  	_ =	shalt  }
0x44: {  	_ =	shalt  }
0x45: {  	_ =	shalt  }
0x46: {  	_ =	shalt  }
0x47: {  	_ =	shalt  }
0x48: {  	_ =	shalt  }
0x49: {  	_ =	shalt  }
0x4a: {  	_ =	shalt  }
0x4b: {  	_ =	shalt  }
0x4c: {  	_ =	shalt  }
0x4d: {  	_ =	shalt  }
0x4e: {  	_ =	shalt  }
0x4f: {  	_ =	shalt  }
0x50: {  	_ =	shalt  }
0x51: {  	_ =	shalt  }
0x52: {  	_ =	shalt  }
0x53: {  	_ =	shalt  }
0x54: {  	_ =	shalt  }
0x55: {  	_ =	shalt  }
0x56: {  	_ =	shalt  }
0x57: {  	_ =	shalt  }
0x58: {  	_ =	shalt  }
0x59: {  	_ =	shalt  }
0x5a: {  	_ =	shalt  }
0x5b: {  	_ =	shalt  }
0x5c: {  	_ =	shalt  }
0x5d: {  	_ =	shalt  }
0x5e: {  	_ =	shalt  }
0x5f: {  	_ =	shalt  }
0x60: {  	_ =	shalt  }
0x61: {  	_ =	shalt  }
0x62: {  	_ =	shalt  }
0x63: {  	_ =	shalt  }
0x64: {  	_ =	shalt  }
0x65: {  	_ =	shalt  }
0x66: {  	_ =	shalt  }
0x67: {  	_ =	shalt  }
0x68: {  	_ =	shalt  }
0x69: {  	_ =	shalt  }
0x6a: {  	_ =	shalt  }
0x6b: {  	_ =	shalt  }
0x6c: {  	_ =	shalt  }
0x6d: {  	_ =	shalt  }
0x6e: {  	_ =	shalt  }
0x6f: {  	_ =	shalt  }
0x70: {  	_ =	shalt  }
0x71: {  	_ =	shalt  }
0x72: {  	_ =	shalt  }
0x73: {  	_ =	shalt  }
0x74: {  	_ =	shalt  }
0x75: {  	_ =	shalt  }
0x76: {  	_ =	shalt  }
0x77: {  	_ =	shalt  }
0x78: {  	_ =	shalt  }
0x79: {  	_ =	shalt  }
0x7a: {  	_ =	shalt  }
0x7b: {  	_ =	shalt  }
0x7c: {  	_ =	shalt  }
0x7d: {  	_ =	shalt  }
0x7e: {  	_ =	shalt  }
0x7f: {  	_ =	shalt  }
0x80: {  	_ =	shalt  }
0x81: {  	_ =	shalt  }
0x82: {  	_ =	shalt  }
0x83: {  	_ =	shalt  }
0x84: {  	_ =	shalt  }
0x85: {  	_ =	shalt  }
0x86: {  	_ =	shalt  }
0x87: {  	_ =	shalt  }
.Lfunc_end0:
.L_simem_size_0:
called_computation_lowered:
.L_overlay_start_0:
0x88: {  	s2 =	sld [smem:$0x3FD9]  }
0x89: {  	s3 =	sld [smem:$0x3FFE];
	_ =	sdelay $0x1  }
0x8a: {  	s1 =	srdreg.scid  }
0x8b: {  	s0 =	sand.u32 $0x1, s1  }
0x8c: {  	s14 =	sshll.u32 s0, $0xA;
	s2 =	sadd.s32 s3, s2  }
0x8d: {  	s2 =	sadd.s32 s2, s14  }
0x8e: {  	[smem:$0x3FC2] =	sst s2  }
0x8f: {  	_ = 	snop  }
0x90: {  	s2 =	sld [smem:$0x3FD0];
	_ =	sdelay $0x2  }
0x91: {  	s4 =	simm.s32 $0xA;
	s5 =	simm.s32 $0x10;
	s15 =	sld [smem:$0x3FC9]  }
0x92: {  	[smem:s5], [sflag:s4] =	dma.local [hbm:s2], $0x1  }
0x93: {  	_ =	swait.eq [sflag:s4], $0x1  }
0x94: {  	[sflag:s4] =	ssyncset.done $0x0  }
0x95: {  	[sflag:s4] =	ssyncadd.s32 $0xFFFFFFFF  }
0x96: {  	s16 =	sld [smem:$0x13];
	(tm) =	ssettm $0x1  }
0x97: {  	s17 =	sld [smem:$0x3FFB];
	_ =	sdelay $0x3  }
0x98: {  	_ =	strace s17  }
0x99: {  	s4 =	sld [smem:$0x3FFC];
	_ =	sdelay $0x3  }
0x9a: {  	_ =	strace s4  }
0x9b: {  	s4 =	sld [smem:$0x3FFD];
	_ =	sdelay $0x3  }
0x9c: {  	_ =	strace s4  }
0x9d: {  	_ =	strace $0x8FFFFFFF  }
0x9e: {  	s18 =	sld [smem:$0x3FDB];
	_ =	sdelay $0x1  }
0x9f: {  	s19 =	simm.s32 $_scs_section_size  }
0xa0: {  	s6 =	simm.s32 $_size__tile_overlayer_lowered;
	s7 =	simm.s32 $_tile_overlayer_lowered  }
0xa1: {  	s22 =	simm.s32 $0x1BFF;
	s21 =	sshll.u32 s7, $0x1;
	s4 =	sadd.s32 s19, s18  }
0xa2: {  	s8 =	simm.s32 $0x0;
	s20 =	sshll.u32 s6, $0x1;
	s6 =	sadd.s32 s21, s4  }
0xa3: {  	[timem:s8], [sflag:s22] =	dma.local [hbm:s6], s20  }
0xa4: {  	_ =	swait.ge [sflag:s22], s20  }
0xa5: {  	s5 =	ssub.s32 $0x0, s20;
	[sflag:s22] =	ssyncset.done $0x0  }
0xa6: {  	[sflag:s22] =	ssyncadd.s32 s5;
	_ =	sdelay $0x1  }
0xa7: {  	s23 =	simm.s32 $0x1B8B  }
0xa8: {  	_ =	swait.ge [sflag:s23], $0x1  }
0xa9: {  	[sflag:s23] =	ssyncset.done $0x0  }
0xaa: {  	s25 =	simm.s32 $0x1B8E;
	s24 =	sld [smem:$0x3FFE];
	[sflag:s23] =	ssyncadd.s32 $0xFFFFFFFF  }
0xab: {  	s26 =	simm.s32 $execute0_lowered;
	[smem:$0x3FD2] =	sst s25  }
0xac: {  	s6 =	sshll.u32 s26, $0x1;
	_ =	strace $0x80000046;
	[dreg:$0x1] =	wrdreg $0xFFFFFFFF  }
0xad: {  	s28 =	simm.s32 $_size_execute0_lowered;
	s4 =	sadd.s32 s4, s6;
	[dreg:$0x0] =	wrdreg $0x0  }
0xae: {  	s6 =	sshll.u32 s28, $0x1;
	[dreg:$0x2] =	wrdreg s4  }
0xaf: {  	[dreg:$0x3] =	wrdreg s6  }
0xb0: {  	[dreg:$0x4] =	wrdreg $0xC0  }
0xb1: {  	_ =	task [dreg:s8], $0x5FFFF  }
0xb2: {  	[dreg:$0x1] =	wrdreg $0xFFFFFFFF  }
0xb3: {  	[dreg:$0x0] =	wrdreg $0x60  }
0xb4: {  	[dreg:$0x2] =	wrdreg s15  }
0xb5: {  	[dreg:$0x3] =	wrdreg s16  }
0xb6: {  	[dreg:$0x4] =	wrdreg s24  }
0xb7: {  	[dreg:$0x5] =	wrdreg $0x9  }
0xb8: {  	_ =	task.clear_ibuf [dreg:s8], $0x6FFFF;
	_ =	strace $0x90000046  }
0xb9: {  	s29 =	simm.s32 $0x9;
	_ =	strace $0x80000048  }
0xba: {  	_ =	swait.ge [sflag:s29], $0x1  }
0xbb: {  	[sflag:s29] =	ssyncadd.s32 $0xFFFFFFFF  }
0xbc: {  	_ =	strace $0x90000048  }
0xbd: {  	_ =	sfence  }
0xbe: {  	s30 =	sld [smem:$0x0];
	_ =	sdelay $0x2  }
0xbf: {  	s31 =	sshll.u32 s1, $0xD;
	s1 =	sshrl.u32 s1, $0x2  }
0xc0: {  	s3 =	sand.u32 $0x4000, s31;
	s1 =	sadd.s32 s1, s30  }
0xc1: {  	s0 =	sor.u32 s3, s0;
	s1 =	sshll.u32 s1, $0x11  }
0xc2: {  	s0 =	sor.u32 s1, s0  }
0xc3: {  	s0 =	sadd.s32 $0x8F2B, s0  }
0xc4: {  	[sflag:s0] =	ssyncadd.remote.s32 $0x1  }
0xc5: {  	_ =	sfence.sel $0xFFFF  }
0xc6: {  	[dreg:$0x0] =	wrdreg $0xFFFFFFFF;
	(pc) =	sbr.abs _section_cstart, $3  }
0xc7: {  	[dreg:$0x1] =	wrdreg $0xFFFFFFFF  }
0xc8: {  	_ =	task.clear_ibuf [dreg:s8], $0x2FFFF;
	_ =	strace $0x9FFFFFFF  }
0xc9: {  	(tm) =	ssettm $0x7FFFFFFF  }
tec
execute0_lowered:
.L_overlay_start_1:
0x0: {  	(tag) =	ssettag $0x1  }
0x1: {  	s1 =	rddreg [dreg:$0x0]  }
0x2: {  	s5 =	rddreg [dreg:$0x1]  }
0x3: {  	s10 =	rddreg [dreg:$0x2];
	s3 =	srdreg.scid  }
0x4: {  	s0 =	rddreg [dreg:$0x3];
	s2 =	stileid.u32;
	s12 =	simm.s32 $0x1  }
0x5: {  	s13 =	simm.s32 $0x80;
	s14 =	simm.s32 $0x100;
	s15 =	simm.s32 $0x900  }
0x6: {  	s16 =	simm.s32 $0x1100;
	s17 =	simm.s32 $0x1900;
	s18 =	simm.s32 $0x2100  }
0x7: {  	s19 =	simm.s32 $0x2900;
	s20 =	simm.s32 $0x3100;
	s21 =	simm.s32 $0x3900  }
0x8: {  	s22 =	simm.s32 $0x4100;
	s23 =	simm.s32 $0x4900;
	s24 =	simm.s32 $0x5100  }
0x9: {  	s25 =	simm.s32 $0x5900;
	s26 =	simm.s32 $0x0;
	s4 =	sand.u32 $0x1, s3  }
0xa: {  	s3 =	simm.s32 $0x0;
	s7 =	sshll.u32 s2, $0x4;
	s6 =	sshll.u32 s4, $0x8  }
0xb: {  	[smem:$0x7FF] =	sst s3;
	s31 =	ssub.s32 $0x2, s4;
	s4 =	sadd.s32 $0x12000, s10  }
0xc: {  	s6 =	sor.u32 s7, s6;
	_ =	strace $0x80000047;
	s9 =	sshrl.u32 s31, $0x1  }
0xd: {  	v2 =	vlaneseq.u32;
	s7 =	sadd.s32 $0x100, s1;
	s8 =	sadd.s32 s6, s10;
	s11 =	ssub.s32 s31, s9  }
0xe: {  	vm0 =	vmmov $0xffff;
	v1 =	vshrl.u32 v2, $0x3;
	s5 =	sadd.s32 s5, s6;
	s9 =	sadd.s32 $0x12100, s10;
	s10 =	sadd.s32 $0x12200, s10  }
0xf: {  	v0 =	vand.u32 $0x7, v2;
	v2 =	vor.u32 $0x8, v2;
	v1 =	vmul.u32 $0x8, v1;
	s6 =	sadd.s32 $0x11E00, s8;
	s8 =	sadd.s32 $0x200, s1;
	s11 =	smax.u32 s11, $0x1  }
.LBB2_1:
0x10: {  	[tilespmem:s3], [sflag:$0x1] =	stream.linear.gather [hbm4b:s5+s3], $0x80, $0x38;
	[tilespmem:$0x6100] =	vst v63  }
0x11: {  	_ =	swait.ge [sflag:s12], $0x80  }
0x12: {  	[sflag:s12] =	ssyncset.done $0x0  }
0x13: {  	[sflag:s12] =	ssyncadd.s32 $0xFFFFFF80  }
0x14: {  	[tilespmem:s13], [sflag:$0x1] =	stream.linear.gather [hbm4b:s6+s3], $0x80, $0x38;
	[tilespmem:$0x6100] =	vst v63  }
0x15: {  	_ =	swait.ge [sflag:s12], $0x80  }
0x16: {  	[sflag:s12] =	ssyncset.done $0x0  }
0x17: {  	s28 =	simm.s32 $0x0;
	[sflag:s12] =	ssyncadd.s32 $0xFFFFFF80  }
.LBB2_2:
0x18: {  	s29 =	sshra.s32 s28, $0x2  }
0x19: {  	v3 =	vld [tilespmem:s29+$0x0];
	_ =	sdelay $0x4  }
0x1a: {  	v4 =	vshrl.u32 v3, $0x3  }
0x1b: {  	v4 =	vmul.u32 $0x30, v4  }
0x1c: {  	v3 =	vand.u32 $0x7, v3  }
0x1d: {  	v3 =	vor.u32 v3, v4  }
0x1e: {  	v4 =	vperm.xlane v3, v0;
	_ =	sdelay $0x1  }
0x1f: {  	v4 =	vadd.s32 v1, v4;
	_ =	sdelay $0x3  }
0x20: {  	v3 =	vperm.xlane v3, v2  }
0x21: {  	[tilespmem:s14], [sflag:$0x1] =	stream.indirect_vreg.gather [hbm4b:s1+s3], $0x80, v4, vm0, $0xb8;
	[tilespmem:$0x6100] =	vst v63  }
0x22: {  	v3 =	vadd.s32 v1, v3  }
0x23: {  	[tilespmem:s15], [sflag:$0x1] =	stream.indirect_vreg.gather [hbm4b:s7+s3], $0x80, v4, vm0, $0xb8;
	[tilespmem:$0x6100] =	vst v63  }
0x24: {  	_ = 	snop  }
0x25: {  	[tilespmem:s16], [sflag:$0x1] =	stream.indirect_vreg.gather [hbm4b:s8+s3], $0x80, v4, vm0, $0xb8;
	[tilespmem:$0x6100] =	vst v63  }
0x26: {  	_ = 	snop  }
0x27: {  	[tilespmem:s17], [sflag:$0x1] =	stream.indirect_vreg.gather [hbm4b:s1+s3], $0x80, v3, vm0, $0xb8;
	[tilespmem:$0x6100] =	vst v63  }
0x28: {  	_ = 	snop  }
0x29: {  	[tilespmem:s18], [sflag:$0x1] =	stream.indirect_vreg.gather [hbm4b:s7+s3], $0x80, v3, vm0, $0xb8;
	[tilespmem:$0x6100] =	vst v63  }
0x2a: {  	_ = 	snop  }
0x2b: {  	[tilespmem:s19], [sflag:$0x1] =	stream.indirect_vreg.gather [hbm4b:s8+s3], $0x80, v3, vm0, $0xb8;
	[tilespmem:$0x6100] =	vst v63  }
0x2c: {  	v3 =	vld [tilespmem:s29+$0x10];
	_ =	sdelay $0x4  }
0x2d: {  	v61 =	vshrl.u32 v3, $0x3  }
0x2e: {  	v4 =	vmul.u32 $0x30, v61  }
0x2f: {  	v3 =	vand.u32 $0x7, v3  }
0x30: {  	v3 =	vor.u32 v3, v4  }
0x31: {  	v4 =	vperm.xlane v3, v0;
	_ =	sdelay $0x1  }
0x32: {  	v4 =	vadd.s32 v1, v4;
	_ =	sdelay $0x3  }
0x33: {  	v3 =	vperm.xlane v3, v2  }
0x34: {  	[tilespmem:s20], [sflag:$0x1] =	stream.indirect_vreg.gather [hbm4b:s1+s3], $0x80, v4, vm0, $0xb8;
	[tilespmem:$0x6100] =	vst v63  }
0x35: {  	v3 =	vadd.s32 v1, v3  }
0x36: {  	[tilespmem:s21], [sflag:$0x1] =	stream.indirect_vreg.gather [hbm4b:s7+s3], $0x80, v4, vm0, $0xb8;
	[tilespmem:$0x6100] =	vst v63  }
0x37: {  	_ = 	snop  }
0x38: {  	[tilespmem:s22], [sflag:$0x1] =	stream.indirect_vreg.gather [hbm4b:s8+s3], $0x80, v4, vm0, $0xb8;
	[tilespmem:$0x6100] =	vst v63  }
0x39: {  	_ = 	snop  }
0x3a: {  	[tilespmem:s23], [sflag:$0x1] =	stream.indirect_vreg.gather [hbm4b:s1+s3], $0x80, v3, vm0, $0xb8;
	[tilespmem:$0x6100] =	vst v63  }
0x3b: {  	_ = 	snop  }
0x3c: {  	[tilespmem:s24], [sflag:$0x1] =	stream.indirect_vreg.gather [hbm4b:s7+s3], $0x80, v3, vm0, $0xb8;
	[tilespmem:$0x6100] =	vst v63  }
0x3d: {  	_ = 	snop  }
0x3e: {  	[tilespmem:s25], [sflag:$0x1] =	stream.indirect_vreg.gather [hbm4b:s8+s3], $0x80, v3, vm0, $0xb8;
	[tilespmem:$0x6100] =	vst v63  }
0x3f: {  	_ =	swait.ge [sflag:s12], $0x6000  }
0x40: {  	[sflag:s12] =	ssyncset.done $0x0  }
0x41: {  	[sflag:s12] =	ssyncadd.s32 $0xFFFFA000  }
0x42: {  	v3 =	vld [tilespmem:s29+$0x80];
	_ =	sdelay $0x4  }
0x43: {  	v62 =	vshrl.u32 v3, $0x3  }
0x44: {  	v4 =	vmul.u32 $0x30, v62  }
0x45: {  	v3 =	vand.u32 $0x7, v3  }
0x46: {  	v3 =	vor.u32 v3, v4  }
0x47: {  	v4 =	vperm.xlane v3, v0;
	_ =	sdelay $0x1  }
0x48: {  	v4 =	vadd.s32 v1, v4;
	_ =	sdelay $0x3  }
0x49: {  	v3 =	vperm.xlane v3, v2  }
0x4a: {  	[hbm4b:s4+s3] =	stream.indirect_vreg.scatter [tilespmem:s14], [sflag:$0x1], $0x80, v4, vm0, $0xb8;
	[tilespmem:$0x6100] =	vst v63  }
0x4b: {  	v3 =	vadd.s32 v1, v3  }
0x4c: {  	[hbm4b:s9+s3] =	stream.indirect_vreg.scatter [tilespmem:s15], [sflag:$0x1], $0x80, v4, vm0, $0xb8;
	[tilespmem:$0x6100] =	vst v63  }
0x4d: {  	_ = 	snop  }
0x4e: {  	[hbm4b:s10+s3] =	stream.indirect_vreg.scatter [tilespmem:s16], [sflag:$0x1], $0x80, v4, vm0, $0xb8;
	[tilespmem:$0x6100] =	vst v63  }
0x4f: {  	_ = 	snop  }
0x50: {  	[hbm4b:s4+s3] =	stream.indirect_vreg.scatter [tilespmem:s17], [sflag:$0x1], $0x80, v3, vm0, $0xb8;
	[tilespmem:$0x6100] =	vst v63  }
0x51: {  	_ = 	snop  }
0x52: {  	[hbm4b:s9+s3] =	stream.indirect_vreg.scatter [tilespmem:s18], [sflag:$0x1], $0x80, v3, vm0, $0xb8;
	[tilespmem:$0x6100] =	vst v63  }
0x53: {  	_ = 	snop  }
0x54: {  	[hbm4b:s10+s3] =	stream.indirect_vreg.scatter [tilespmem:s19], [sflag:$0x1], $0x80, v3, vm0, $0xb8;
	[tilespmem:$0x6100] =	vst v63  }
0x55: {  	v3 =	vld [tilespmem:s29+$0x90];
	_ =	sdelay $0x4  }
0x56: {  	v63 =	vshrl.u32 v3, $0x3  }
0x57: {  	v4 =	vmul.u32 $0x30, v63  }
0x58: {  	v3 =	vand.u32 $0x7, v3  }
0x59: {  	v3 =	vor.u32 v3, v4  }
0x5a: {  	v4 =	vperm.xlane v3, v0;
	_ =	sdelay $0x1  }
0x5b: {  	v4 =	vadd.s32 v1, v4;
	_ =	sdelay $0x3  }
0x5c: {  	v3 =	vperm.xlane v3, v2  }
0x5d: {  	[hbm4b:s4+s3] =	stream.indirect_vreg.scatter [tilespmem:s20], [sflag:$0x1], $0x80, v4, vm0, $0xb8;
	[tilespmem:$0x6100] =	vst v63  }
0x5e: {  	v3 =	vadd.s32 v1, v3  }
0x5f: {  	[hbm4b:s9+s3] =	stream.indirect_vreg.scatter [tilespmem:s21], [sflag:$0x1], $0x80, v4, vm0, $0xb8;
	[tilespmem:$0x6100] =	vst v63  }
0x60: {  	_ = 	snop  }
0x61: {  	[hbm4b:s10+s3] =	stream.indirect_vreg.scatter [tilespmem:s22], [sflag:$0x1], $0x80, v4, vm0, $0xb8;
	[tilespmem:$0x6100] =	vst v63  }
0x62: {  	_ = 	snop  }
0x63: {  	[hbm4b:s4+s3] =	stream.indirect_vreg.scatter [tilespmem:s23], [sflag:$0x1], $0x80, v3, vm0, $0xb8;
	[tilespmem:$0x6100] =	vst v63  }
0x64: {  	p0 =	sne.s32 s28, $0x180  }
0x65: {  	[hbm4b:s9+s3] =	stream.indirect_vreg.scatter [tilespmem:s24], [sflag:$0x1], $0x80, v3, vm0, $0xb8;
	[tilespmem:$0x6100] =	vst v63  }
.Ltmp0:
0x66: {  	_ = 	snop;
	(pc) =	sbr.rel @p0 .LBB2_2-.Ltmp0, $4  }
0x67: {  	[hbm4b:s10+s3] =	stream.indirect_vreg.scatter [tilespmem:s25], [sflag:$0x1], $0x80, v3, vm0, $0xb8;
	[tilespmem:$0x6100] =	vst v63  }
0x68: {  	_ =	swait.ge [sflag:s12], $0x6000  }
0x69: {  	[sflag:s12] =	ssyncset.done $0x0  }
0x6a: {  	s28 =	sadd.s32 $0x80, s28;
	[sflag:s12] =	ssyncadd.s32 $0xFFFFA000  }
0x6b: {  	s26 =	sadd.s32 $0x1, s26  }
0x6c: {  	p0 =	sne.s32 s26, s11  }
.Ltmp1:
0x6d: {  	_ = 	snop;
	(pc) =	sbr.rel @p0 .LBB2_1-.Ltmp1, $1  }
0x6e: {  	_ =	sdelay $0x3  }
0x6f: {  	_ =	sfence.sel $0x180000  }
0x70: {  	[bflag:$0x0] =	sbarrier.arrive $0xFFFF  }
0x71: {  	p0 =	sne.s32 s2, $0x0;
	_ =	strace $0x90000047  }
0x72: {  	s0 =	sadd.s32 @!p0 $0x100000, s0;
	[bflag:$0x2] =	sbarrier.arrive $0xFFFF  }
0x73: {  	[sflag:s0] =	ssyncadd.tile.s32 @!p0 $0x1;
	_ =	shalt  }
.Lfunc_end2:
_tile_overlayer_lowered:
.L_overlay_start_2:
0x74: {  	(tag) =	ssettag $0x2  }
0x75: {  	s0 =	rddreg [dreg:$0x0];
	s2 =	stileid.u32  }
0x76: {  	s1 =	rddreg [dreg:$0x1];
	p0 =	sne.s32 s2, $0x0  }
0x77: {  	s3 =	rddreg [dreg:$0x2];
	[bflag:$0x3] =	sbarrier.arrive $0xFFFF;
	s2 =	simm.s32 @!p0 $0x1C01  }
0x78: {  	[timem:s3], [sflag:s2] =	dma.local @!p0 [hbm:s0], s1  }
0x79: {  	s0 =	simm.s32 @!p0 $0x1  }
0x7a: {  	_ =	swait.ge @!p0 [sflag:s0], s1  }
0x7b: {  	s1 =	ssub.s32 @!p0 $0x0, s1;
	[sflag:s0] =	ssyncset.done @!p0 $0x0  }
0x7c: {  	[sflag:s0] =	ssyncadd.s32 @!p0 s1  }
0x7d: {  	[bflag:$0x3] =	sbarrier.arrive $0xFFFF  }
0x7e: {  	_ =	shalt  }

</sc_bundles>
